<compile_context>
chip_gen: v7x
topology: tpu7x:2x2x1
jax: 0.10.2.dev20260603
libtpu: 0.0.44.dev20260713+nightly
codegen_flags: <defaults>
</compile_context>

<pallas_src>
import jax
import jax.numpy as jnp
from jax import lax
from jax.experimental import pallas as pl
from jax.experimental.pallas import tpu as pltpu
from jax.experimental.pallas import tpu_sc as plsc

VOCAB = 76
SEQ = 2048
DMODEL = 512
BATCH = 64

NCORES = 2
NSUB = 16
NW = NCORES * NSUB
TPS = SEQ // NW
HB = TPS // 2
NLANE = 16


def _pe_body(o_ref):
    r = lax.broadcasted_iota(jnp.int32, (SEQ, DMODEL), 0).astype(jnp.float32)
    c = lax.broadcasted_iota(jnp.int32, (SEQ, DMODEL), 1)
    even = (c - lax.rem(c, 2)).astype(jnp.float32)
    denom = jnp.exp(even * (jnp.log(10000.0) / DMODEL))
    theta = r / denom
    o_ref[...] = jnp.where(lax.rem(c, 2) == 0, jnp.sin(theta), jnp.cos(theta))


_pe_table = pl.pallas_call(
    _pe_body,
    out_shape=jax.ShapeDtypeStruct((SEQ, DMODEL), jnp.float32),
)


def _sc_body(idx_hbm, table_hbm, pe_hbm, out_hbm,
             pe_v, idx_v, gb0, gb1, ob0, ob1,
             gsem0a, gsem0b, gsem1a, gsem1b, osem0, osem1):
    cid = lax.axis_index("c")
    sid = lax.axis_index("s")
    wid = sid * NCORES + cid
    pltpu.sync_copy(pe_hbm.at[wid], pe_v)
    pltpu.sync_copy(idx_hbm.at[wid], idx_v)

    NS = 4
    HH = HB // NS
    gbufs = ((gb0, gsem0a, gsem0b), (gb1, gsem1a, gsem1b))
    obufs = ((ob0, osem0), (ob1, osem1))

    def gsrc(b, h, p):
        return table_hbm.at[idx_v.at[b, pl.ds(h * HB + p * HH, HH)]]

    def gather(b, h, gbuf):
        gb = gbuf[0]
        for p in range(NS):
            pltpu.async_copy(gsrc(b, h, p), gb.at[pl.ds(p * HH, HH)],
                             gbuf[1 + p % 2])

    def gather_wait(b, h, gbuf):
        gb = gbuf[0]
        for p in range(NS):
            pltpu.make_async_copy(gsrc(b, h, p), gb.at[pl.ds(p * HH, HH)],
                                  gbuf[1 + p % 2]).wait()

    def out_dst(b, h):
        return out_hbm.at[b, wid, pl.ds(h * HB, HB)]

    def compute(h, gb, ob):
        def r_body(r, carry):
            for j in range(DMODEL // NLANE):
                sl = pl.ds(j * NLANE, NLANE)
                ob[r, sl] = gb[r, sl] + pe_v[h * HB + r, sl]
            return carry

        lax.fori_loop(0, HB, r_body, 0)

    gather(0, 0, gbufs[0])

    def b_body(b, carry):
        for h in range(2):
            gb = gbufs[h][0]
            ob, osem = obufs[h]

            if h == 0:
                gather(b, 1, gbufs[1])
            else:
                @pl.when(b + 1 < BATCH)
                def _pref():
                    gather(b + 1, 0, gbufs[0])

            gather_wait(b, h, gbufs[h])

            @pl.when(b > 0)
            def _wait_out():
                pltpu.make_async_copy(ob, out_dst(b - 1, h), osem).wait()

            compute(h, gb, ob)
            pltpu.async_copy(ob, out_dst(b, h), osem)
        return carry

    lax.fori_loop(0, BATCH, b_body, 0)

    for h, (ob, osem) in enumerate(obufs):
        pltpu.make_async_copy(ob, out_dst(BATCH - 1, h), osem).wait()


_sc_embed = pl.kernel(
    _sc_body,
    out_type=jax.ShapeDtypeStruct((BATCH, NW, TPS, DMODEL), jnp.float32),
    mesh=plsc.VectorSubcoreMesh(core_axis_name="c", subcore_axis_name="s",
                                num_cores=NCORES, num_subcores=NSUB),
    scratch_types=[
        pltpu.VMEM((TPS, DMODEL), jnp.float32),
        pltpu.VMEM((BATCH, TPS), jnp.int32),
        pltpu.VMEM((HB, DMODEL), jnp.float32),
        pltpu.VMEM((HB, DMODEL), jnp.float32),
        pltpu.VMEM((HB, DMODEL), jnp.float32),
        pltpu.VMEM((HB, DMODEL), jnp.float32),
        pltpu.SemaphoreType.DMA,
        pltpu.SemaphoreType.DMA,
        pltpu.SemaphoreType.DMA,
        pltpu.SemaphoreType.DMA,
        pltpu.SemaphoreType.DMA,
        pltpu.SemaphoreType.DMA,
    ],
)


def kernel(x, embedding):
    idx = x.astype(jnp.int32).reshape(BATCH, NW, TPS).transpose(1, 0, 2)
    idx = idx + (jnp.arange(NW, dtype=jnp.int32) * VOCAB)[:, None, None]
    table_rep = jnp.broadcast_to(embedding[None], (NW, VOCAB, DMODEL))
    table_rep = table_rep.reshape(NW * VOCAB, DMODEL)
    pe = _pe_table().reshape(NW, TPS, DMODEL)
    out = _sc_embed(idx, table_rep, pe)
    return out.reshape(BATCH, SEQ, DMODEL)

# --- scband reference (transcript-rebuilt; emitter-appended) ---
"""Pipeline reference for scband-sentence-tokenizer-20298015441597 (READ-ONLY COPY).

The authoritative reference and input builder live on the scoring server;
editing this copy changes nothing except your own understanding.
"""

import jax, jax.numpy as jnp
import numpy as np

VOCAB_SIZE = 76
MAX_SEQ_LEN = 2048
D_MODEL = 512
BATCH = 64


def positional_encoding(seq_len, d_model):
    # Faithful translation of the standard PositionalEncoding used with this module:
    # interleaved sin/cos with denominator 10000**(2i/d_model)
    even_i = jnp.arange(0, d_model, 2, dtype=jnp.float32)
    denominator = jnp.power(10000.0, even_i / d_model)
    position = jnp.arange(seq_len, dtype=jnp.float32)[:, None]
    even_pe = jnp.sin(position / denominator)
    odd_pe = jnp.cos(position / denominator)
    stacked = jnp.stack([even_pe, odd_pe], axis=2)
    pe = stacked.reshape(seq_len, d_model)
    return pe


def setup_inputs(seed: int = 0) -> dict:
    key = jax.random.key(seed)
    k1, k2 = jax.random.split(key)
    # Pre-tokenized sentence indices (the string->index batch_tokenize step is
    # non-tensor Python; we model its output: int64[B, max_seq_len] in [0, vocab)).
    x = jax.random.randint(k1, (BATCH, MAX_SEQ_LEN), 0, VOCAB_SIZE, dtype=jnp.int64)
    # Learned embedding table, nn.Embedding default init ~ N(0,1)
    embedding = jax.random.normal(k2, (VOCAB_SIZE, D_MODEL), dtype=jnp.float32)
    return {"x": x, "embedding": embedding}


def reference(x, embedding):
    # x: int64[B, S] token indices (output of batch_tokenize)
    emb = jnp.take(embedding, x, axis=0)            # [B, S, D] embedding gather
    pos = positional_encoding(MAX_SEQ_LEN, D_MODEL)  # [S, D]
    out = emb + pos[None, :, :]
    # dropout(p=0.1) is identity in eval mode
    return out

if __name__ == "__main__":
    import jax
    _d = setup_inputs()
    print(jax.jit(kernel)(*tuple(_d.values())))

</pallas_src>

<mosaic_0001>
#map = affine_map<(d0, d1) -> (0, 0, 0)>
#map1 = affine_map<(d0, d1) -> (0, 0)>
#map2 = affine_map<(d0, d1) -> (0, 0, 0, 0)>
module attributes {stable_mosaic.version = 14 : i64} {
  func.func @_sc_body(%arg0: i32, %arg1: i32, %arg2: memref<32x64x64xi32, #tpu.memory_space<hbm>>, %arg3: memref<2432x512xf32, #tpu.memory_space<hbm>>, %arg4: memref<32x64x512xf32, #tpu.memory_space<hbm>>, %arg5: memref<64x32x64x512xf32, #tpu.memory_space<hbm>>, %arg6: memref<64x512xf32, #tpu.memory_space<vmem>>, %arg7: memref<64x64xi32, #tpu.memory_space<vmem>>, %arg8: memref<32x512xf32, #tpu.memory_space<vmem>>, %arg9: memref<32x512xf32, #tpu.memory_space<vmem>>, %arg10: memref<32x512xf32, #tpu.memory_space<vmem>>, %arg11: memref<32x512xf32, #tpu.memory_space<vmem>>, %arg12: memref<!tpu.dma_semaphore, #tpu.memory_space<semaphore_mem>>, %arg13: memref<!tpu.dma_semaphore, #tpu.memory_space<semaphore_mem>>, %arg14: memref<!tpu.dma_semaphore, #tpu.memory_space<semaphore_mem>>, %arg15: memref<!tpu.dma_semaphore, #tpu.memory_space<semaphore_mem>>, %arg16: memref<!tpu.dma_semaphore, #tpu.memory_space<semaphore_mem>>, %arg17: memref<!tpu.dma_semaphore, #tpu.memory_space<semaphore_mem>>) attributes {dimension_semantics = [#tpu.dimension_semantics<core_parallel>, #tpu.dimension_semantics<subcore_parallel>], iteration_bounds = array<i64: 2, 16>, scalar_prefetch = 0 : i64, scratch_operands = 12 : i64, tpu.core_type = #tpu.core_type<sc_vector_subcore>, window_params = [{transform_indices = #map}, {transform_indices = #map1}, {transform_indices = #map}, {transform_indices = #map2}]} {
    %mul3A = arith.constant 2 : i32
    %mul3A_0 = arith.muli %arg1, %mul3A : i32
    %add3A = arith.addi %mul3A_0, %arg0 : i32
    "tpu.region"() ({
      %run_scoped3A = tpu.sem_alloc : memref<!tpu.dma_semaphore, #tpu.memory_space<semaphore_mem>>
      %dma_start3A_62 = arith.constant 0 : i32
      %dma_start3A_63 = arith.constant 0 : i32
      %dma_start3A_64 = tpu.memref_slice %arg4[%add3A, %dma_start3A_62, %dma_start3A_63] : memref<32x64x512xf32, #tpu.memory_space<hbm>> -> memref<1x64x512xf32, #tpu.memory_space<hbm>>
      %dma_start3A_65 = tpu.memref_squeeze %dma_start3A_64 : memref<1x64x512xf32, #tpu.memory_space<hbm>> -> memref<64x512xf32, #tpu.memory_space<hbm>>
      %dma_start3A_66 = arith.constant 0 : i32
      %dma_start3A_67 = arith.constant 0 : i32
      %dma_start3A_68 = tpu.memref_slice %arg4[%add3A, %dma_start3A_66, %dma_start3A_67] : memref<32x64x512xf32, #tpu.memory_space<hbm>> -> memref<1x64x512xf32, #tpu.memory_space<hbm>>
      %dma_start3A_69 = tpu.memref_squeeze %dma_start3A_68 : memref<1x64x512xf32, #tpu.memory_space<hbm>> -> memref<64x512xf32, #tpu.memory_space<hbm>>
      tpu.enqueue_dma source(%dma_start3A_69 : memref<64x512xf32, #tpu.memory_space<hbm>>) target(%arg6 : memref<64x512xf32, #tpu.memory_space<vmem>>) target_semaphore(%run_scoped3A : memref<!tpu.dma_semaphore, #tpu.memory_space<semaphore_mem>>)
      %dma_wait3A_70 = arith.constant 0 : i32
      %dma_wait3A_71 = arith.constant 0 : i32
      %dma_wait3A_72 = tpu.memref_slice %arg4[%add3A, %dma_wait3A_70, %dma_wait3A_71] : memref<32x64x512xf32, #tpu.memory_space<hbm>> -> memref<1x64x512xf32, #tpu.memory_space<hbm>>
      %dma_wait3A_73 = tpu.memref_squeeze %dma_wait3A_72 : memref<1x64x512xf32, #tpu.memory_space<hbm>> -> memref<64x512xf32, #tpu.memory_space<hbm>>
      %dma_wait3A_74 = arith.constant 0 : i32
      %dma_wait3A_75 = arith.constant 0 : i32
      %dma_wait3A_76 = tpu.memref_slice %arg4[%add3A, %dma_wait3A_74, %dma_wait3A_75] : memref<32x64x512xf32, #tpu.memory_space<hbm>> -> memref<1x64x512xf32, #tpu.memory_space<hbm>>
      %dma_wait3A_77 = tpu.memref_squeeze %dma_wait3A_76 : memref<1x64x512xf32, #tpu.memory_space<hbm>> -> memref<64x512xf32, #tpu.memory_space<hbm>>
      tpu.wait_dma2 semaphore(%run_scoped3A : memref<!tpu.dma_semaphore, #tpu.memory_space<semaphore_mem>>) src(%dma_wait3A_77 : memref<64x512xf32, #tpu.memory_space<hbm>>) dst(%arg6 : memref<64x512xf32, #tpu.memory_space<vmem>>)
      tpu.yield
    }) : () -> ()
    "tpu.region"() ({
      %run_scoped3A = tpu.sem_alloc : memref<!tpu.dma_semaphore, #tpu.memory_space<semaphore_mem>>
      %dma_start3A_62 = arith.constant 0 : i32
      %dma_start3A_63 = arith.constant 0 : i32
      %dma_start3A_64 = tpu.memref_slice %arg2[%add3A, %dma_start3A_62, %dma_start3A_63] : memref<32x64x64xi32, #tpu.memory_space<hbm>> -> memref<1x64x64xi32, #tpu.memory_space<hbm>>
      %dma_start3A_65 = tpu.memref_squeeze %dma_start3A_64 : memref<1x64x64xi32, #tpu.memory_space<hbm>> -> memref<64x64xi32, #tpu.memory_space<hbm>>
      %dma_start3A_66 = arith.constant 0 : i32
      %dma_start3A_67 = arith.constant 0 : i32
      %dma_start3A_68 = tpu.memref_slice %arg2[%add3A, %dma_start3A_66, %dma_start3A_67] : memref<32x64x64xi32, #tpu.memory_space<hbm>> -> memref<1x64x64xi32, #tpu.memory_space<hbm>>
      %dma_start3A_69 = tpu.memref_squeeze %dma_start3A_68 : memref<1x64x64xi32, #tpu.memory_space<hbm>> -> memref<64x64xi32, #tpu.memory_space<hbm>>
      tpu.enqueue_dma source(%dma_start3A_69 : memref<64x64xi32, #tpu.memory_space<hbm>>) target(%arg7 : memref<64x64xi32, #tpu.memory_space<vmem>>) target_semaphore(%run_scoped3A : memref<!tpu.dma_semaphore, #tpu.memory_space<semaphore_mem>>)
      %dma_wait3A_70 = arith.constant 0 : i32
      %dma_wait3A_71 = arith.constant 0 : i32
      %dma_wait3A_72 = tpu.memref_slice %arg2[%add3A, %dma_wait3A_70, %dma_wait3A_71] : memref<32x64x64xi32, #tpu.memory_space<hbm>> -> memref<1x64x64xi32, #tpu.memory_space<hbm>>
      %dma_wait3A_73 = tpu.memref_squeeze %dma_wait3A_72 : memref<1x64x64xi32, #tpu.memory_space<hbm>> -> memref<64x64xi32, #tpu.memory_space<hbm>>
      %dma_wait3A_74 = arith.constant 0 : i32
      %dma_wait3A_75 = arith.constant 0 : i32
      %dma_wait3A_76 = tpu.memref_slice %arg2[%add3A, %dma_wait3A_74, %dma_wait3A_75] : memref<32x64x64xi32, #tpu.memory_space<hbm>> -> memref<1x64x64xi32, #tpu.memory_space<hbm>>
      %dma_wait3A_77 = tpu.memref_squeeze %dma_wait3A_76 : memref<1x64x64xi32, #tpu.memory_space<hbm>> -> memref<64x64xi32, #tpu.memory_space<hbm>>
      tpu.wait_dma2 semaphore(%run_scoped3A : memref<!tpu.dma_semaphore, #tpu.memory_space<semaphore_mem>>) src(%dma_wait3A_77 : memref<64x64xi32, #tpu.memory_space<hbm>>) dst(%arg7 : memref<64x64xi32, #tpu.memory_space<vmem>>)
      tpu.yield
    }) : () -> ()
    %dma_start3A = arith.constant 0 : i32
    %dma_start3A_1 = arith.constant 0 : i32
    %dma_start3A_2 = arith.constant 0 : i32
    %dma_start3A_3 = tpu.memref_slice %arg8[%dma_start3A_1, %dma_start3A_2] : memref<32x512xf32, #tpu.memory_space<vmem>> -> memref<8x512xf32, #tpu.memory_space<vmem>>
    %dma_start3A_4 = arith.constant 0 : i32
    %dma_start3A_5 = tpu.memref_slice %arg7[%dma_start3A, %dma_start3A_4] : memref<64x64xi32, #tpu.memory_space<vmem>> -> memref<1x8xi32, #tpu.memory_space<vmem>>
    %dma_start3A_6 = tpu.memref_squeeze %dma_start3A_5 : memref<1x8xi32, #tpu.memory_space<vmem>> -> memref<8xi32, #tpu.memory_space<vmem>>
    %dma_start3A_7 = arith.constant 0 : i32
    %dma_start3A_8 = arith.constant 0 : i32
    %dma_start3A_9 = tpu.memref_slice %arg3[%dma_start3A_7, %dma_start3A_8] : memref<2432x512xf32, #tpu.memory_space<hbm>> -> memref<2432x512xf32, #tpu.memory_space<hbm>>
    tpu.enqueue_indirect_dma source(%dma_start3A_9 : memref<2432x512xf32, #tpu.memory_space<hbm>>) target(%dma_start3A_3 : memref<8x512xf32, #tpu.memory_space<vmem>>) offsets(%dma_start3A_6 : memref<8xi32, #tpu.memory_space<vmem>>) semaphore(%arg12 : memref<!tpu.dma_semaphore, #tpu.memory_space<semaphore_mem>>)
    %dma_start3A_10 = arith.constant 0 : i32
    %dma_start3A_11 = arith.constant 8 : i32
    %dma_start3A_12 = arith.constant 0 : i32
    %dma_start3A_13 = tpu.memref_slice %arg8[%dma_start3A_11, %dma_start3A_12] : memref<32x512xf32, #tpu.memory_space<vmem>> -> memref<8x512xf32, #tpu.memory_space<vmem>>
    %dma_start3A_14 = arith.constant 8 : i32
    %dma_start3A_15 = tpu.memref_slice %arg7[%dma_start3A_10, %dma_start3A_14] : memref<64x64xi32, #tpu.memory_space<vmem>> -> memref<1x8xi32, #tpu.memory_space<vmem>>
    %dma_start3A_16 = tpu.memref_squeeze %dma_start3A_15 : memref<1x8xi32, #tpu.memory_space<vmem>> -> memref<8xi32, #tpu.memory_space<vmem>>
    %dma_start3A_17 = arith.constant 0 : i32
    %dma_start3A_18 = arith.constant 0 : i32
    %dma_start3A_19 = tpu.memref_slice %arg3[%dma_start3A_17, %dma_start3A_18] : memref<2432x512xf32, #tpu.memory_space<hbm>> -> memref<2432x512xf32, #tpu.memory_space<hbm>>
    tpu.enqueue_indirect_dma source(%dma_start3A_19 : memref<2432x512xf32, #tpu.memory_space<hbm>>) target(%dma_start3A_13 : memref<8x512xf32, #tpu.memory_space<vmem>>) offsets(%dma_start3A_16 : memref<8xi32, #tpu.memory_space<vmem>>) semaphore(%arg13 : memref<!tpu.dma_semaphore, #tpu.memory_space<semaphore_mem>>)
    %dma_start3A_20 = arith.constant 0 : i32
    %dma_start3A_21 = arith.constant 16 : i32
    %dma_start3A_22 = arith.constant 0 : i32
    %dma_start3A_23 = tpu.memref_slice %arg8[%dma_start3A_21, %dma_start3A_22] : memref<32x512xf32, #tpu.memory_space<vmem>> -> memref<8x512xf32, #tpu.memory_space<vmem>>
    %dma_start3A_24 = arith.constant 16 : i32
    %dma_start3A_25 = tpu.memref_slice %arg7[%dma_start3A_20, %dma_start3A_24] : memref<64x64xi32, #tpu.memory_space<vmem>> -> memref<1x8xi32, #tpu.memory_space<vmem>>
    %dma_start3A_26 = tpu.memref_squeeze %dma_start3A_25 : memref<1x8xi32, #tpu.memory_space<vmem>> -> memref<8xi32, #tpu.memory_space<vmem>>
    %dma_start3A_27 = arith.constant 0 : i32
    %dma_start3A_28 = arith.constant 0 : i32
    %dma_start3A_29 = tpu.memref_slice %arg3[%dma_start3A_27, %dma_start3A_28] : memref<2432x512xf32, #tpu.memory_space<hbm>> -> memref<2432x512xf32, #tpu.memory_space<hbm>>
    tpu.enqueue_indirect_dma source(%dma_start3A_29 : memref<2432x512xf32, #tpu.memory_space<hbm>>) target(%dma_start3A_23 : memref<8x512xf32, #tpu.memory_space<vmem>>) offsets(%dma_start3A_26 : memref<8xi32, #tpu.memory_space<vmem>>) semaphore(%arg12 : memref<!tpu.dma_semaphore, #tpu.memory_space<semaphore_mem>>)
    %dma_start3A_30 = arith.constant 0 : i32
    %dma_start3A_31 = arith.constant 24 : i32
    %dma_start3A_32 = arith.constant 0 : i32
    %dma_start3A_33 = tpu.memref_slice %arg8[%dma_start3A_31, %dma_start3A_32] : memref<32x512xf32, #tpu.memory_space<vmem>> -> memref<8x512xf32, #tpu.memory_space<vmem>>
    %dma_start3A_34 = arith.constant 24 : i32
    %dma_start3A_35 = tpu.memref_slice %arg7[%dma_start3A_30, %dma_start3A_34] : memref<64x64xi32, #tpu.memory_space<vmem>> -> memref<1x8xi32, #tpu.memory_space<vmem>>
    %dma_start3A_36 = tpu.memref_squeeze %dma_start3A_35 : memref<1x8xi32, #tpu.memory_space<vmem>> -> memref<8xi32, #tpu.memory_space<vmem>>
    %dma_start3A_37 = arith.constant 0 : i32
    %dma_start3A_38 = arith.constant 0 : i32
    %dma_start3A_39 = tpu.memref_slice %arg3[%dma_start3A_37, %dma_start3A_38] : memref<2432x512xf32, #tpu.memory_space<hbm>> -> memref<2432x512xf32, #tpu.memory_space<hbm>>
    tpu.enqueue_indirect_dma source(%dma_start3A_39 : memref<2432x512xf32, #tpu.memory_space<hbm>>) target(%dma_start3A_33 : memref<8x512xf32, #tpu.memory_space<vmem>>) offsets(%dma_start3A_36 : memref<8xi32, #tpu.memory_space<vmem>>) semaphore(%arg13 : memref<!tpu.dma_semaphore, #tpu.memory_space<semaphore_mem>>)
    %scan3A = arith.constant 0 : i32
    %scan3A_40 = arith.constant 0 : i32
    %scan3A_41 = arith.constant 64 : i32
    %scan3A_42 = arith.addi %scan3A_40, %scan3A_41 : i32
    %scan3A_43 = arith.constant 1 : i32
    scf.for %scan3A_62 = %scan3A_40 to %scan3A_42 step %scan3A_43  : i32 {
      %dma_start3A_63 = arith.constant 0 : i32
      %dma_start3A_64 = arith.constant 0 : i32
      %dma_start3A_65 = tpu.memref_slice %arg9[%dma_start3A_63, %dma_start3A_64] : memref<32x512xf32, #tpu.memory_space<vmem>> -> memref<8x512xf32, #tpu.memory_space<vmem>>
      %dma_start3A_66 = arith.constant 32 : i32
      %dma_start3A_67 = tpu.memref_slice %arg7[%scan3A_62, %dma_start3A_66] : memref<64x64xi32, #tpu.memory_space<vmem>> -> memref<1x8xi32, #tpu.memory_space<vmem>>
      %dma_start3A_68 = tpu.memref_squeeze %dma_start3A_67 : memref<1x8xi32, #tpu.memory_space<vmem>> -> memref<8xi32, #tpu.memory_space<vmem>>
      %dma_start3A_69 = arith.constant 0 : i32
      %dma_start3A_70 = arith.constant 0 : i32
      %dma_start3A_71 = tpu.memref_slice %arg3[%dma_start3A_69, %dma_start3A_70] : memref<2432x512xf32, #tpu.memory_space<hbm>> -> memref<2432x512xf32, #tpu.memory_space<hbm>>
      tpu.enqueue_indirect_dma source(%dma_start3A_71 : memref<2432x512xf32, #tpu.memory_space<hbm>>) target(%dma_start3A_65 : memref<8x512xf32, #tpu.memory_space<vmem>>) offsets(%dma_start3A_68 : memref<8xi32, #tpu.memory_space<vmem>>) semaphore(%arg14 : memref<!tpu.dma_semaphore, #tpu.memory_space<semaphore_mem>>)
      %dma_start3A_72 = arith.constant 8 : i32
      %dma_start3A_73 = arith.constant 0 : i32
      %dma_start3A_74 = tpu.memref_slice %arg9[%dma_start3A_72, %dma_start3A_73] : memref<32x512xf32, #tpu.memory_space<vmem>> -> memref<8x512xf32, #tpu.memory_space<vmem>>
      %dma_start3A_75 = arith.constant 40 : i32
      %dma_start3A_76 = tpu.memref_slice %arg7[%scan3A_62, %dma_start3A_75] : memref<64x64xi32, #tpu.memory_space<vmem>> -> memref<1x8xi32, #tpu.memory_space<vmem>>
      %dma_start3A_77 = tpu.memref_squeeze %dma_start3A_76 : memref<1x8xi32, #tpu.memory_space<vmem>> -> memref<8xi32, #tpu.memory_space<vmem>>
      %dma_start3A_78 = arith.constant 0 : i32
      %dma_start3A_79 = arith.constant 0 : i32
      %dma_start3A_80 = tpu.memref_slice %arg3[%dma_start3A_78, %dma_start3A_79] : memref<2432x512xf32, #tpu.memory_space<hbm>> -> memref<2432x512xf32, #tpu.memory_space<hbm>>
      tpu.enqueue_indirect_dma source(%dma_start3A_80 : memref<2432x512xf32, #tpu.memory_space<hbm>>) target(%dma_start3A_74 : memref<8x512xf32, #tpu.memory_space<vmem>>) offsets(%dma_start3A_77 : memref<8xi32, #tpu.memory_space<vmem>>) semaphore(%arg15 : memref<!tpu.dma_semaphore, #tpu.memory_space<semaphore_mem>>)
      %dma_start3A_81 = arith.constant 16 : i32
      %dma_start3A_82 = arith.constant 0 : i32
      %dma_start3A_83 = tpu.memref_slice %arg9[%dma_start3A_81, %dma_start3A_82] : memref<32x512xf32, #tpu.memory_space<vmem>> -> memref<8x512xf32, #tpu.memory_space<vmem>>
      %dma_start3A_84 = arith.constant 48 : i32
      %dma_start3A_85 = tpu.memref_slice %arg7[%scan3A_62, %dma_start3A_84] : memref<64x64xi32, #tpu.memory_space<vmem>> -> memref<1x8xi32, #tpu.memory_space<vmem>>
      %dma_start3A_86 = tpu.memref_squeeze %dma_start3A_85 : memref<1x8xi32, #tpu.memory_space<vmem>> -> memref<8xi32, #tpu.memory_space<vmem>>
      %dma_start3A_87 = arith.constant 0 : i32
      %dma_start3A_88 = arith.constant 0 : i32
      %dma_start3A_89 = tpu.memref_slice %arg3[%dma_start3A_87, %dma_start3A_88] : memref<2432x512xf32, #tpu.memory_space<hbm>> -> memref<2432x512xf32, #tpu.memory_space<hbm>>
      tpu.enqueue_indirect_dma source(%dma_start3A_89 : memref<2432x512xf32, #tpu.memory_space<hbm>>) target(%dma_start3A_83 : memref<8x512xf32, #tpu.memory_space<vmem>>) offsets(%dma_start3A_86 : memref<8xi32, #tpu.memory_space<vmem>>) semaphore(%arg14 : memref<!tpu.dma_semaphore, #tpu.memory_space<semaphore_mem>>)
      %dma_start3A_90 = arith.constant 24 : i32
      %dma_start3A_91 = arith.constant 0 : i32
      %dma_start3A_92 = tpu.memref_slice %arg9[%dma_start3A_90, %dma_start3A_91] : memref<32x512xf32, #tpu.memory_space<vmem>> -> memref<8x512xf32, #tpu.memory_space<vmem>>
      %dma_start3A_93 = arith.constant 56 : i32
      %dma_start3A_94 = tpu.memref_slice %arg7[%scan3A_62, %dma_start3A_93] : memref<64x64xi32, #tpu.memory_space<vmem>> -> memref<1x8xi32, #tpu.memory_space<vmem>>
      %dma_start3A_95 = tpu.memref_squeeze %dma_start3A_94 : memref<1x8xi32, #tpu.memory_space<vmem>> -> memref<8xi32, #tpu.memory_space<vmem>>
      %dma_start3A_96 = arith.constant 0 : i32
      %dma_start3A_97 = arith.constant 0 : i32
      %dma_start3A_98 = tpu.memref_slice %arg3[%dma_start3A_96, %dma_start3A_97] : memref<2432x512xf32, #tpu.memory_space<hbm>> -> memref<2432x512xf32, #tpu.memory_space<hbm>>
      tpu.enqueue_indirect_dma source(%dma_start3A_98 : memref<2432x512xf32, #tpu.memory_space<hbm>>) target(%dma_start3A_92 : memref<8x512xf32, #tpu.memory_space<vmem>>) offsets(%dma_start3A_95 : memref<8xi32, #tpu.memory_space<vmem>>) semaphore(%arg15 : memref<!tpu.dma_semaphore, #tpu.memory_space<semaphore_mem>>)
      %dma_wait3A_99 = arith.constant 0 : i32
      %dma_wait3A_100 = arith.constant 0 : i32
      %dma_wait3A_101 = tpu.memref_slice %arg8[%dma_wait3A_99, %dma_wait3A_100] : memref<32x512xf32, #tpu.memory_space<vmem>> -> memref<8x512xf32, #tpu.memory_space<vmem>>
      %dma_wait3A_102 = arith.constant 0 : i32
      %dma_wait3A_103 = tpu.memref_slice %arg7[%scan3A_62, %dma_wait3A_102] : memref<64x64xi32, #tpu.memory_space<vmem>> -> memref<1x8xi32, #tpu.memory_space<vmem>>
      %dma_wait3A_104 = tpu.memref_squeeze %dma_wait3A_103 : memref<1x8xi32, #tpu.memory_space<vmem>> -> memref<8xi32, #tpu.memory_space<vmem>>
      %dma_wait3A_105 = arith.constant 0 : i32
      %dma_wait3A_106 = arith.constant 0 : i32
      %dma_wait3A_107 = tpu.memref_slice %arg3[%dma_wait3A_105, %dma_wait3A_106] : memref<2432x512xf32, #tpu.memory_space<hbm>> -> memref<2432x512xf32, #tpu.memory_space<hbm>>
      tpu.wait_indirect_dma semaphore(%arg12 : memref<!tpu.dma_semaphore, #tpu.memory_space<semaphore_mem>>) src(%dma_wait3A_107 : memref<2432x512xf32, #tpu.memory_space<hbm>>) dst(%dma_wait3A_101 : memref<8x512xf32, #tpu.memory_space<vmem>>)
      %dma_wait3A_108 = arith.constant 8 : i32
      %dma_wait3A_109 = arith.constant 0 : i32
      %dma_wait3A_110 = tpu.memref_slice %arg8[%dma_wait3A_108, %dma_wait3A_109] : memref<32x512xf32, #tpu.memory_space<vmem>> -> memref<8x512xf32, #tpu.memory_space<vmem>>
      %dma_wait3A_111 = arith.constant 8 : i32
      %dma_wait3A_112 = tpu.memref_slice %arg7[%scan3A_62, %dma_wait3A_111] : memref<64x64xi32, #tpu.memory_space<vmem>> -> memref<1x8xi32, #tpu.memory_space<vmem>>
      %dma_wait3A_113 = tpu.memref_squeeze %dma_wait3A_112 : memref<1x8xi32, #tpu.memory_space<vmem>> -> memref<8xi32, #tpu.memory_space<vmem>>
      %dma_wait3A_114 = arith.constant 0 : i32
      %dma_wait3A_115 = arith.constant 0 : i32
      %dma_wait3A_116 = tpu.memref_slice %arg3[%dma_wait3A_114, %dma_wait3A_115] : memref<2432x512xf32, #tpu.memory_space<hbm>> -> memref<2432x512xf32, #tpu.memory_space<hbm>>
      tpu.wait_indirect_dma semaphore(%arg13 : memref<!tpu.dma_semaphore, #tpu.memory_space<semaphore_mem>>) src(%dma_wait3A_116 : memref<2432x512xf32, #tpu.memory_space<hbm>>) dst(%dma_wait3A_110 : memref<8x512xf32, #tpu.memory_space<vmem>>)
      %dma_wait3A_117 = arith.constant 16 : i32
      %dma_wait3A_118 = arith.constant 0 : i32
      %dma_wait3A_119 = tpu.memref_slice %arg8[%dma_wait3A_117, %dma_wait3A_118] : memref<32x512xf32, #tpu.memory_space<vmem>> -> memref<8x512xf32, #tpu.memory_space<vmem>>
      %dma_wait3A_120 = arith.constant 16 : i32
      %dma_wait3A_121 = tpu.memref_slice %arg7[%scan3A_62, %dma_wait3A_120] : memref<64x64xi32, #tpu.memory_space<vmem>> -> memref<1x8xi32, #tpu.memory_space<vmem>>
      %dma_wait3A_122 = tpu.memref_squeeze %dma_wait3A_121 : memref<1x8xi32, #tpu.memory_space<vmem>> -> memref<8xi32, #tpu.memory_space<vmem>>
      %dma_wait3A_123 = arith.constant 0 : i32
      %dma_wait3A_124 = arith.constant 0 : i32
      %dma_wait3A_125 = tpu.memref_slice %arg3[%dma_wait3A_123, %dma_wait3A_124] : memref<2432x512xf32, #tpu.memory_space<hbm>> -> memref<2432x512xf32, #tpu.memory_space<hbm>>
      tpu.wait_indirect_dma semaphore(%arg12 : memref<!tpu.dma_semaphore, #tpu.memory_space<semaphore_mem>>) src(%dma_wait3A_125 : memref<2432x512xf32, #tpu.memory_space<hbm>>) dst(%dma_wait3A_119 : memref<8x512xf32, #tpu.memory_space<vmem>>)
      %dma_wait3A_126 = arith.constant 24 : i32
      %dma_wait3A_127 = arith.constant 0 : i32
      %dma_wait3A_128 = tpu.memref_slice %arg8[%dma_wait3A_126, %dma_wait3A_127] : memref<32x512xf32, #tpu.memory_space<vmem>> -> memref<8x512xf32, #tpu.memory_space<vmem>>
      %dma_wait3A_129 = arith.constant 24 : i32
      %dma_wait3A_130 = tpu.memref_slice %arg7[%scan3A_62, %dma_wait3A_129] : memref<64x64xi32, #tpu.memory_space<vmem>> -> memref<1x8xi32, #tpu.memory_space<vmem>>
      %dma_wait3A_131 = tpu.memref_squeeze %dma_wait3A_130 : memref<1x8xi32, #tpu.memory_space<vmem>> -> memref<8xi32, #tpu.memory_space<vmem>>
      %dma_wait3A_132 = arith.constant 0 : i32
      %dma_wait3A_133 = arith.constant 0 : i32
      %dma_wait3A_134 = tpu.memref_slice %arg3[%dma_wait3A_132, %dma_wait3A_133] : memref<2432x512xf32, #tpu.memory_space<hbm>> -> memref<2432x512xf32, #tpu.memory_space<hbm>>
      tpu.wait_indirect_dma semaphore(%arg13 : memref<!tpu.dma_semaphore, #tpu.memory_space<semaphore_mem>>) src(%dma_wait3A_134 : memref<2432x512xf32, #tpu.memory_space<hbm>>) dst(%dma_wait3A_128 : memref<8x512xf32, #tpu.memory_space<vmem>>)
      %gt3A = arith.constant 0 : i32
      %gt3A_135 = arith.cmpi sgt, %scan3A_62, %gt3A : i32
      %convert_element_type3A = arith.extui %gt3A_135 : i1 to i32
      %cond3A = arith.constant 0 : i32
      %cond3A_136 = arith.cmpi ne, %convert_element_type3A, %cond3A : i32
      scf.if %cond3A_136 {
        %sub3A = arith.constant 1 : i32
        %sub3A_212 = arith.subi %scan3A_62, %sub3A : i32
        %dma_wait3A_213 = arith.constant 0 : i32
        %dma_wait3A_214 = arith.constant 0 : i32
        %dma_wait3A_215 = tpu.memref_slice %arg5[%sub3A_212, %add3A, %dma_wait3A_213, %dma_wait3A_214] : memref<64x32x64x512xf32, #tpu.memory_space<hbm>> -> memref<1x1x32x512xf32, #tpu.memory_space<hbm>>
        %dma_wait3A_216 = tpu.memref_squeeze %dma_wait3A_215 : memref<1x1x32x512xf32, #tpu.memory_space<hbm>> -> memref<32x512xf32, #tpu.memory_space<hbm>>
        %dma_wait3A_217 = arith.constant 0 : i32
        %dma_wait3A_218 = arith.constant 0 : i32
        %dma_wait3A_219 = tpu.memref_slice %arg5[%sub3A_212, %add3A, %dma_wait3A_217, %dma_wait3A_218] : memref<64x32x64x512xf32, #tpu.memory_space<hbm>> -> memref<1x1x32x512xf32, #tpu.memory_space<hbm>>
        %dma_wait3A_220 = tpu.memref_squeeze %dma_wait3A_219 : memref<1x1x32x512xf32, #tpu.memory_space<hbm>> -> memref<32x512xf32, #tpu.memory_space<hbm>>
        tpu.wait_dma2 semaphore(%arg16 : memref<!tpu.dma_semaphore, #tpu.memory_space<semaphore_mem>>) src(%arg10 : memref<32x512xf32, #tpu.memory_space<vmem>>) dst(%dma_wait3A_220 : memref<32x512xf32, #tpu.memory_space<hbm>>)
      } else {
      }
      %scan3A_137 = arith.constant 0 : i32
      %scan3A_138 = arith.constant 0 : i32
      %scan3A_139 = arith.constant 32 : i32
      %scan3A_140 = arith.addi %scan3A_138, %scan3A_139 : i32
      %scan3A_141 = arith.constant 1 : i32
      scf.for %scan3A_212 = %scan3A_138 to %scan3A_140 step %scan3A_141  : i32 {
        %get3A = arith.index_cast %scan3A_212 : i32 to index
        %get3A_213 = arith.constant 0 : index
        %get3A_214 = tpu.vector_load %arg8[%get3A, %get3A_213] {strides = array<i32>} : memref<32x512xf32, #tpu.memory_space<vmem>>, vector<1x16xf32>,
        %get3A_215 = vector.shape_cast %get3A_214 : vector<1x16xf32> to vector<16xf32>
        %add3A_216 = arith.constant 0 : i32
        %add3A_217 = arith.addi %add3A_216, %scan3A_212 : i32
        %get3A_218 = arith.index_cast %add3A_217 : i32 to index
        %get3A_219 = arith.constant 0 : index
        %get3A_220 = tpu.vector_load %arg6[%get3A_218, %get3A_219] {strides = array<i32>} : memref<64x512xf32, #tpu.memory_space<vmem>>, vector<1x16xf32>,
        %get3A_221 = vector.shape_cast %get3A_220 : vector<1x16xf32> to vector<16xf32>
        %add3A_222 = arith.addf %get3A_215, %get3A_221 : vector<16xf32>
        %swap3A = arith.index_cast %scan3A_212 : i32 to index
        %swap3A_223 = arith.constant 0 : index
        %swap3A_224 = tpu.vector_load %arg10[%swap3A, %swap3A_223] {strides = array<i32>} : memref<32x512xf32, #tpu.memory_space<vmem>>, vector<1x16xf32>,
        %swap3A_225 = vector.shape_cast %swap3A_224 : vector<1x16xf32> to vector<16xf32>
        %swap3A_226 = vector.shape_cast %add3A_222 : vector<16xf32> to vector<1x16xf32>
        tpu.vector_store %arg10[%swap3A, %swap3A_223], %swap3A_226 {strides = array<i32>} : memref<32x512xf32, #tpu.memory_space<vmem>>, vector<1x16xf32>,
        %get3A_227 = arith.index_cast %scan3A_212 : i32 to index
        %get3A_228 = arith.constant 16 : index
        %get3A_229 = tpu.vector_load %arg8[%get3A_227, %get3A_228] {strides = array<i32>} : memref<32x512xf32, #tpu.memory_space<vmem>>, vector<1x16xf32>,
        %get3A_230 = vector.shape_cast %get3A_229 : vector<1x16xf32> to vector<16xf32>
        %add3A_231 = arith.constant 0 : i32
        %add3A_232 = arith.addi %add3A_231, %scan3A_212 : i32
        %get3A_233 = arith.index_cast %add3A_232 : i32 to index
        %get3A_234 = arith.constant 16 : index
        %get3A_235 = tpu.vector_load %arg6[%get3A_233, %get3A_234] {strides = array<i32>} : memref<64x512xf32, #tpu.memory_space<vmem>>, vector<1x16xf32>,
        %get3A_236 = vector.shape_cast %get3A_235 : vector<1x16xf32> to vector<16xf32>
        %add3A_237 = arith.addf %get3A_230, %get3A_236 : vector<16xf32>
        %swap3A_238 = arith.index_cast %scan3A_212 : i32 to index
        %swap3A_239 = arith.constant 16 : index
        %swap3A_240 = tpu.vector_load %arg10[%swap3A_238, %swap3A_239] {strides = array<i32>} : memref<32x512xf32, #tpu.memory_space<vmem>>, vector<1x16xf32>,
        %swap3A_241 = vector.shape_cast %swap3A_240 : vector<1x16xf32> to vector<16xf32>
        %swap3A_242 = vector.shape_cast %add3A_237 : vector<16xf32> to vector<1x16xf32>
        tpu.vector_store %arg10[%swap3A_238, %swap3A_239], %swap3A_242 {strides = array<i32>} : memref<32x512xf32, #tpu.memory_space<vmem>>, vector<1x16xf32>,
        %get3A_243 = arith.index_cast %scan3A_212 : i32 to index
        %get3A_244 = arith.constant 32 : index
        %get3A_245 = tpu.vector_load %arg8[%get3A_243, %get3A_244] {strides = array<i32>} : memref<32x512xf32, #tpu.memory_space<vmem>>, vector<1x16xf32>,
        %get3A_246 = vector.shape_cast %get3A_245 : vector<1x16xf32> to vector<16xf32>
        %add3A_247 = arith.constant 0 : i32
        %add3A_248 = arith.addi %add3A_247, %scan3A_212 : i32
        %get3A_249 = arith.index_cast %add3A_248 : i32 to index
        %get3A_250 = arith.constant 32 : index
        %get3A_251 = tpu.vector_load %arg6[%get3A_249, %get3A_250] {strides = array<i32>} : memref<64x512xf32, #tpu.memory_space<vmem>>, vector<1x16xf32>,
        %get3A_252 = vector.shape_cast %get3A_251 : vector<1x16xf32> to vector<16xf32>
        %add3A_253 = arith.addf %get3A_246, %get3A_252 : vector<16xf32>
        %swap3A_254 = arith.index_cast %scan3A_212 : i32 to index
        %swap3A_255 = arith.constant 32 : index
        %swap3A_256 = tpu.vector_load %arg10[%swap3A_254, %swap3A_255] {strides = array<i32>} : memref<32x512xf32, #tpu.memory_space<vmem>>, vector<1x16xf32>,
        %swap3A_257 = vector.shape_cast %swap3A_256 : vector<1x16xf32> to vector<16xf32>
        %swap3A_258 = vector.shape_cast %add3A_253 : vector<16xf32> to vector<1x16xf32>
        tpu.vector_store %arg10[%swap3A_254, %swap3A_255], %swap3A_258 {strides = array<i32>} : memref<32x512xf32, #tpu.memory_space<vmem>>, vector<1x16xf32>,
        %get3A_259 = arith.index_cast %scan3A_212 : i32 to index
        %get3A_260 = arith.constant 48 : index
        %get3A_261 = tpu.vector_load %arg8[%get3A_259, %get3A_260] {strides = array<i32>} : memref<32x512xf32, #tpu.memory_space<vmem>>, vector<1x16xf32>,
        %get3A_262 = vector.shape_cast %get3A_261 : vector<1x16xf32> to vector<16xf32>
        %add3A_263 = arith.constant 0 : i32
        %add3A_264 = arith.addi %add3A_263, %scan3A_212 : i32
        %get3A_265 = arith.index_cast %add3A_264 : i32 to index
        %get3A_266 = arith.constant 48 : index
        %get3A_267 = tpu.vector_load %arg6[%get3A_265, %get3A_266] {strides = array<i32>} : memref<64x512xf32, #tpu.memory_space<vmem>>, vector<1x16xf32>,
        %get3A_268 = vector.shape_cast %get3A_267 : vector<1x16xf32> to vector<16xf32>
        %add3A_269 = arith.addf %get3A_262, %get3A_268 : vector<16xf32>
        %swap3A_270 = arith.index_cast %scan3A_212 : i32 to index
        %swap3A_271 = arith.constant 48 : index
        %swap3A_272 = tpu.vector_load %arg10[%swap3A_270, %swap3A_271] {strides = array<i32>} : memref<32x512xf32, #tpu.memory_space<vmem>>, vector<1x16xf32>,
        %swap3A_273 = vector.shape_cast %swap3A_272 : vector<1x16xf32> to vector<16xf32>
        %swap3A_274 = vector.shape_cast %add3A_269 : vector<16xf32> to vector<1x16xf32>
        tpu.vector_store %arg10[%swap3A_270, %swap3A_271], %swap3A_274 {strides = array<i32>} : memref<32x512xf32, #tpu.memory_space<vmem>>, vector<1x16xf32>,
        %get3A_275 = arith.index_cast %scan3A_212 : i32 to index
        %get3A_276 = arith.constant 64 : index
        %get3A_277 = tpu.vector_load %arg8[%get3A_275, %get3A_276] {strides = array<i32>} : memref<32x512xf32, #tpu.memory_space<vmem>>, vector<1x16xf32>,
        %get3A_278 = vector.shape_cast %get3A_277 : vector<1x16xf32> to vector<16xf32>
        %add3A_279 = arith.constant 0 : i32
        %add3A_280 = arith.addi %add3A_279, %scan3A_212 : i32
        %get3A_281 = arith.index_cast %add3A_280 : i32 to index
        %get3A_282 = arith.constant 64 : index
        %get3A_283 = tpu.vector_load %arg6[%get3A_281, %get3A_282] {strides = array<i32>} : memref<64x512xf32, #tpu.memory_space<vmem>>, vector<1x16xf32>,
        %get3A_284 = vector.shape_cast %get3A_283 : vector<1x16xf32> to vector<16xf32>
        %add3A_285 = arith.addf %get3A_278, %get3A_284 : vector<16xf32>
        %swap3A_286 = arith.index_cast %scan3A_212 : i32 to index
        %swap3A_287 = arith.constant 64 : index
        %swap3A_288 = tpu.vector_load %arg10[%swap3A_286, %swap3A_287] {strides = array<i32>} : memref<32x512xf32, #tpu.memory_space<vmem>>, vector<1x16xf32>,
        %swap3A_289 = vector.shape_cast %swap3A_288 : vector<1x16xf32> to vector<16xf32>
        %swap3A_290 = vector.shape_cast %add3A_285 : vector<16xf32> to vector<1x16xf32>
        tpu.vector_store %arg10[%swap3A_286, %swap3A_287], %swap3A_290 {strides = array<i32>} : memref<32x512xf32, #tpu.memory_space<vmem>>, vector<1x16xf32>,
        %get3A_291 = arith.index_cast %scan3A_212 : i32 to index
        %get3A_292 = arith.constant 80 : index
        %get3A_293 = tpu.vector_load %arg8[%get3A_291, %get3A_292] {strides = array<i32>} : memref<32x512xf32, #tpu.memory_space<vmem>>, vector<1x16xf32>,
        %get3A_294 = vector.shape_cast %get3A_293 : vector<1x16xf32> to vector<16xf32>
        %add3A_295 = arith.constant 0 : i32
        %add3A_296 = arith.addi %add3A_295, %scan3A_212 : i32
        %get3A_297 = arith.index_cast %add3A_296 : i32 to index
        %get3A_298 = arith.constant 80 : index
        %get3A_299 = tpu.vector_load %arg6[%get3A_297, %get3A_298] {strides = array<i32>} : memref<64x512xf32, #tpu.memory_space<vmem>>, vector<1x16xf32>,
        %get3A_300 = vector.shape_cast %get3A_299 : vector<1x16xf32> to vector<16xf32>
        %add3A_301 = arith.addf %get3A_294, %get3A_300 : vector<16xf32>
        %swap3A_302 = arith.index_cast %scan3A_212 : i32 to index
        %swap3A_303 = arith.constant 80 : index
        %swap3A_304 = tpu.vector_load %arg10[%swap3A_302, %swap3A_303] {strides = array<i32>} : memref<32x512xf32, #tpu.memory_space<vmem>>, vector<1x16xf32>,
        %swap3A_305 = vector.shape_cast %swap3A_304 : vector<1x16xf32> to vector<16xf32>
        %swap3A_306 = vector.shape_cast %add3A_301 : vector<16xf32> to vector<1x16xf32>
        tpu.vector_store %arg10[%swap3A_302, %swap3A_303], %swap3A_306 {strides = array<i32>} : memref<32x512xf32, #tpu.memory_space<vmem>>, vector<1x16xf32>,
        %get3A_307 = arith.index_cast %scan3A_212 : i32 to index
        %get3A_308 = arith.constant 96 : index
        %get3A_309 = tpu.vector_load %arg8[%get3A_307, %get3A_308] {strides = array<i32>} : memref<32x512xf32, #tpu.memory_space<vmem>>, vector<1x16xf32>,
        %get3A_310 = vector.shape_cast %get3A_309 : vector<1x16xf32> to vector<16xf32>
        %add3A_311 = arith.constant 0 : i32
        %add3A_312 = arith.addi %add3A_311, %scan3A_212 : i32
        %get3A_313 = arith.index_cast %add3A_312 : i32 to index
        %get3A_314 = arith.constant 96 : index
        %get3A_315 = tpu.vector_load %arg6[%get3A_313, %get3A_314] {strides = array<i32>} : memref<64x512xf32, #tpu.memory_space<vmem>>, vector<1x16xf32>,
        %get3A_316 = vector.shape_cast %get3A_315 : vector<1x16xf32> to vector<16xf32>
        %add3A_317 = arith.addf %get3A_310, %get3A_316 : vector<16xf32>
        %swap3A_318 = arith.index_cast %scan3A_212 : i32 to index
        %swap3A_319 = arith.constant 96 : index
        %swap3A_320 = tpu.vector_load %arg10[%swap3A_318, %swap3A_319] {strides = array<i32>} : memref<32x512xf32, #tpu.memory_space<vmem>>, vector<1x16xf32>,
        %swap3A_321 = vector.shape_cast %swap3A_320 : vector<1x16xf32> to vector<16xf32>
        %swap3A_322 = vector.shape_cast %add3A_317 : vector<16xf32> to vector<1x16xf32>
        tpu.vector_store %arg10[%swap3A_318, %swap3A_319], %swap3A_322 {strides = array<i32>} : memref<32x512xf32, #tpu.memory_space<vmem>>, vector<1x16xf32>,
        %get3A_323 = arith.index_cast %scan3A_212 : i32 to index
        %get3A_324 = arith.constant 112 : index
        %get3A_325 = tpu.vector_load %arg8[%get3A_323, %get3A_324] {strides = array<i32>} : memref<32x512xf32, #tpu.memory_space<vmem>>, vector<1x16xf32>,
        %get3A_326 = vector.shape_cast %get3A_325 : vector<1x16xf32> to vector<16xf32>
        %add3A_327 = arith.constant 0 : i32
        %add3A_328 = arith.addi %add3A_327, %scan3A_212 : i32
        %get3A_329 = arith.index_cast %add3A_328 : i32 to index
        %get3A_330 = arith.constant 112 : index
        %get3A_331 = tpu.vector_load %arg6[%get3A_329, %get3A_330] {strides = array<i32>} : memref<64x512xf32, #tpu.memory_space<vmem>>, vector<1x16xf32>,
        %get3A_332 = vector.shape_cast %get3A_331 : vector<1x16xf32> to vector<16xf32>
        %add3A_333 = arith.addf %get3A_326, %get3A_332 : vector<16xf32>
        %swap3A_334 = arith.index_cast %scan3A_212 : i32 to index
        %swap3A_335 = arith.constant 112 : index
        %swap3A_336 = tpu.vector_load %arg10[%swap3A_334, %swap3A_335] {strides = array<i32>} : memref<32x512xf32, #tpu.memory_space<vmem>>, vector<1x16xf32>,
        %swap3A_337 = vector.shape_cast %swap3A_336 : vector<1x16xf32> to vector<16xf32>
        %swap3A_338 = vector.shape_cast %add3A_333 : vector<16xf32> to vector<1x16xf32>
        tpu.vector_store %arg10[%swap3A_334, %swap3A_335], %swap3A_338 {strides = array<i32>} : memref<32x512xf32, #tpu.memory_space<vmem>>, vector<1x16xf32>,
        %get3A_339 = arith.index_cast %scan3A_212 : i32 to index
        %get3A_340 = arith.constant 128 : index
        %get3A_341 = tpu.vector_load %arg8[%get3A_339, %get3A_340] {strides = array<i32>} : memref<32x512xf32, #tpu.memory_space<vmem>>, vector<1x16xf32>,
        %get3A_342 = vector.shape_cast %get3A_341 : vector<1x16xf32> to vector<16xf32>
        %add3A_343 = arith.constant 0 : i32
        %add3A_344 = arith.addi %add3A_343, %scan3A_212 : i32
        %get3A_345 = arith.index_cast %add3A_344 : i32 to index
        %get3A_346 = arith.constant 128 : index
        %get3A_347 = tpu.vector_load %arg6[%get3A_345, %get3A_346] {strides = array<i32>} : memref<64x512xf32, #tpu.memory_space<vmem>>, vector<1x16xf32>,
        %get3A_348 = vector.shape_cast %get3A_347 : vector<1x16xf32> to vector<16xf32>
        %add3A_349 = arith.addf %get3A_342, %get3A_348 : vector<16xf32>
        %swap3A_350 = arith.index_cast %scan3A_212 : i32 to index
        %swap3A_351 = arith.constant 128 : index
        %swap3A_352 = tpu.vector_load %arg10[%swap3A_350, %swap3A_351] {strides = array<i32>} : memref<32x512xf32, #tpu.memory_space<vmem>>, vector<1x16xf32>,
        %swap3A_353 = vector.shape_cast %swap3A_352 : vector<1x16xf32> to vector<16xf32>
        %swap3A_354 = vector.shape_cast %add3A_349 : vector<16xf32> to vector<1x16xf32>
        tpu.vector_store %arg10[%swap3A_350, %swap3A_351], %swap3A_354 {strides = array<i32>} : memref<32x512xf32, #tpu.memory_space<vmem>>, vector<1x16xf32>,
        %get3A_355 = arith.index_cast %scan3A_212 : i32 to index
        %get3A_356 = arith.constant 144 : index
        %get3A_357 = tpu.vector_load %arg8[%get3A_355, %get3A_356] {strides = array<i32>} : memref<32x512xf32, #tpu.memory_space<vmem>>, vector<1x16xf32>,
        %get3A_358 = vector.shape_cast %get3A_357 : vector<1x16xf32> to vector<16xf32>
        %add3A_359 = arith.constant 0 : i32
        %add3A_360 = arith.addi %add3A_359, %scan3A_212 : i32
        %get3A_361 = arith.index_cast %add3A_360 : i32 to index
        %get3A_362 = arith.constant 144 : index
        %get3A_363 = tpu.vector_load %arg6[%get3A_361, %get3A_362] {strides = array<i32>} : memref<64x512xf32, #tpu.memory_space<vmem>>, vector<1x16xf32>,
        %get3A_364 = vector.shape_cast %get3A_363 : vector<1x16xf32> to vector<16xf32>
        %add3A_365 = arith.addf %get3A_358, %get3A_364 : vector<16xf32>
        %swap3A_366 = arith.index_cast %scan3A_212 : i32 to index
        %swap3A_367 = arith.constant 144 : index
        %swap3A_368 = tpu.vector_load %arg10[%swap3A_366, %swap3A_367] {strides = array<i32>} : memref<32x512xf32, #tpu.memory_space<vmem>>, vector<1x16xf32>,
        %swap3A_369 = vector.shape_cast %swap3A_368 : vector<1x16xf32> to vector<16xf32>
        %swap3A_370 = vector.shape_cast %add3A_365 : vector<16xf32> to vector<1x16xf32>
        tpu.vector_store %arg10[%swap3A_366, %swap3A_367], %swap3A_370 {strides = array<i32>} : memref<32x512xf32, #tpu.memory_space<vmem>>, vector<1x16xf32>,
        %get3A_371 = arith.index_cast %scan3A_212 : i32 to index
        %get3A_372 = arith.constant 160 : index
        %get3A_373 = tpu.vector_load %arg8[%get3A_371, %get3A_372] {strides = array<i32>} : memref<32x512xf32, #tpu.memory_space<vmem>>, vector<1x16xf32>,
        %get3A_374 = vector.shape_cast %get3A_373 : vector<1x16xf32> to vector<16xf32>
        %add3A_375 = arith.constant 0 : i32
        %add3A_376 = arith.addi %add3A_375, %scan3A_212 : i32
        %get3A_377 = arith.index_cast %add3A_376 : i32 to index
        %get3A_378 = arith.constant 160 : index
        %get3A_379 = tpu.vector_load %arg6[%get3A_377, %get3A_378] {strides = array<i32>} : memref<64x512xf32, #tpu.memory_space<vmem>>, vector<1x16xf32>,
        %get3A_380 = vector.shape_cast %get3A_379 : vector<1x16xf32> to vector<16xf32>
        %add3A_381 = arith.addf %get3A_374, %get3A_380 : vector<16xf32>
        %swap3A_382 = arith.index_cast %scan3A_212 : i32 to index
        %swap3A_383 = arith.constant 160 : index
        %swap3A_384 = tpu.vector_load %arg10[%swap3A_382, %swap3A_383] {strides = array<i32>} : memref<32x512xf32, #tpu.memory_space<vmem>>, vector<1x16xf32>,
        %swap3A_385 = vector.shape_cast %swap3A_384 : vector<1x16xf32> to vector<16xf32>
        %swap3A_386 = vector.shape_cast %add3A_381 : vector<16xf32> to vector<1x16xf32>
        tpu.vector_store %arg10[%swap3A_382, %swap3A_383], %swap3A_386 {strides = array<i32>} : memref<32x512xf32, #tpu.memory_space<vmem>>, vector<1x16xf32>,
        %get3A_387 = arith.index_cast %scan3A_212 : i32 to index
        %get3A_388 = arith.constant 176 : index
        %get3A_389 = tpu.vector_load %arg8[%get3A_387, %get3A_388] {strides = array<i32>} : memref<32x512xf32, #tpu.memory_space<vmem>>, vector<1x16xf32>,
        %get3A_390 = vector.shape_cast %get3A_389 : vector<1x16xf32> to vector<16xf32>
        %add3A_391 = arith.constant 0 : i32
        %add3A_392 = arith.addi %add3A_391, %scan3A_212 : i32
        %get3A_393 = arith.index_cast %add3A_392 : i32 to index
        %get3A_394 = arith.constant 176 : index
        %get3A_395 = tpu.vector_load %arg6[%get3A_393, %get3A_394] {strides = array<i32>} : memref<64x512xf32, #tpu.memory_space<vmem>>, vector<1x16xf32>,
        %get3A_396 = vector.shape_cast %get3A_395 : vector<1x16xf32> to vector<16xf32>
        %add3A_397 = arith.addf %get3A_390, %get3A_396 : vector<16xf32>
        %swap3A_398 = arith.index_cast %scan3A_212 : i32 to index
        %swap3A_399 = arith.constant 176 : index
        %swap3A_400 = tpu.vector_load %arg10[%swap3A_398, %swap3A_399] {strides = array<i32>} : memref<32x512xf32, #tpu.memory_space<vmem>>, vector<1x16xf32>,
        %swap3A_401 = vector.shape_cast %swap3A_400 : vector<1x16xf32> to vector<16xf32>
        %swap3A_402 = vector.shape_cast %add3A_397 : vector<16xf32> to vector<1x16xf32>
        tpu.vector_store %arg10[%swap3A_398, %swap3A_399], %swap3A_402 {strides = array<i32>} : memref<32x512xf32, #tpu.memory_space<vmem>>, vector<1x16xf32>,
        %get3A_403 = arith.index_cast %scan3A_212 : i32 to index
        %get3A_404 = arith.constant 192 : index
        %get3A_405 = tpu.vector_load %arg8[%get3A_403, %get3A_404] {strides = array<i32>} : memref<32x512xf32, #tpu.memory_space<vmem>>, vector<1x16xf32>,
        %get3A_406 = vector.shape_cast %get3A_405 : vector<1x16xf32> to vector<16xf32>
        %add3A_407 = arith.constant 0 : i32
        %add3A_408 = arith.addi %add3A_407, %scan3A_212 : i32
        %get3A_409 = arith.index_cast %add3A_408 : i32 to index
        %get3A_410 = arith.constant 192 : index
        %get3A_411 = tpu.vector_load %arg6[%get3A_409, %get3A_410] {strides = array<i32>} : memref<64x512xf32, #tpu.memory_space<vmem>>, vector<1x16xf32>,
        %get3A_412 = vector.shape_cast %get3A_411 : vector<1x16xf32> to vector<16xf32>
        %add3A_413 = arith.addf %get3A_406, %get3A_412 : vector<16xf32>
        %swap3A_414 = arith.index_cast %scan3A_212 : i32 to index
        %swap3A_415 = arith.constant 192 : index
        %swap3A_416 = tpu.vector_load %arg10[%swap3A_414, %swap3A_415] {strides = array<i32>} : memref<32x512xf32, #tpu.memory_space<vmem>>, vector<1x16xf32>,
        %swap3A_417 = vector.shape_cast %swap3A_416 : vector<1x16xf32> to vector<16xf32>
        %swap3A_418 = vector.shape_cast %add3A_413 : vector<16xf32> to vector<1x16xf32>
        tpu.vector_store %arg10[%swap3A_414, %swap3A_415], %swap3A_418 {strides = array<i32>} : memref<32x512xf32, #tpu.memory_space<vmem>>, vector<1x16xf32>,
        %get3A_419 = arith.index_cast %scan3A_212 : i32 to index
        %get3A_420 = arith.constant 208 : index
        %get3A_421 = tpu.vector_load %arg8[%get3A_419, %get3A_420] {strides = array<i32>} : memref<32x512xf32, #tpu.memory_space<vmem>>, vector<1x16xf32>,
        %get3A_422 = vector.shape_cast %get3A_421 : vector<1x16xf32> to vector<16xf32>
        %add3A_423 = arith.constant 0 : i32
        %add3A_424 = arith.addi %add3A_423, %scan3A_212 : i32
        %get3A_425 = arith.index_cast %add3A_424 : i32 to index
        %get3A_426 = arith.constant 208 : index
        %get3A_427 = tpu.vector_load %arg6[%get3A_425, %get3A_426] {strides = array<i32>} : memref<64x512xf32, #tpu.memory_space<vmem>>, vector<1x16xf32>,
        %get3A_428 = vector.shape_cast %get3A_427 : vector<1x16xf32> to vector<16xf32>
        %add3A_429 = arith.addf %get3A_422, %get3A_428 : vector<16xf32>
        %swap3A_430 = arith.index_cast %scan3A_212 : i32 to index
        %swap3A_431 = arith.constant 208 : index
        %swap3A_432 = tpu.vector_load %arg10[%swap3A_430, %swap3A_431] {strides = array<i32>} : memref<32x512xf32, #tpu.memory_space<vmem>>, vector<1x16xf32>,
        %swap3A_433 = vector.shape_cast %swap3A_432 : vector<1x16xf32> to vector<16xf32>
        %swap3A_434 = vector.shape_cast %add3A_429 : vector<16xf32> to vector<1x16xf32>
        tpu.vector_store %arg10[%swap3A_430, %swap3A_431], %swap3A_434 {strides = array<i32>} : memref<32x512xf32, #tpu.memory_space<vmem>>, vector<1x16xf32>,
        %get3A_435 = arith.index_cast %scan3A_212 : i32 to index
        %get3A_436 = arith.constant 224 : index
        %get3A_437 = tpu.vector_load %arg8[%get3A_435, %get3A_436] {strides = array<i32>} : memref<32x512xf32, #tpu.memory_space<vmem>>, vector<1x16xf32>,
        %get3A_438 = vector.shape_cast %get3A_437 : vector<1x16xf32> to vector<16xf32>
        %add3A_439 = arith.constant 0 : i32
        %add3A_440 = arith.addi %add3A_439, %scan3A_212 : i32
        %get3A_441 = arith.index_cast %add3A_440 : i32 to index
        %get3A_442 = arith.constant 224 : index
        %get3A_443 = tpu.vector_load %arg6[%get3A_441, %get3A_442] {strides = array<i32>} : memref<64x512xf32, #tpu.memory_space<vmem>>, vector<1x16xf32>,
        %get3A_444 = vector.shape_cast %get3A_443 : vector<1x16xf32> to vector<16xf32>
        %add3A_445 = arith.addf %get3A_438, %get3A_444 : vector<16xf32>
        %swap3A_446 = arith.index_cast %scan3A_212 : i32 to index
        %swap3A_447 = arith.constant 224 : index
        %swap3A_448 = tpu.vector_load %arg10[%swap3A_446, %swap3A_447] {strides = array<i32>} : memref<32x512xf32, #tpu.memory_space<vmem>>, vector<1x16xf32>,
        %swap3A_449 = vector.shape_cast %swap3A_448 : vector<1x16xf32> to vector<16xf32>
        %swap3A_450 = vector.shape_cast %add3A_445 : vector<16xf32> to vector<1x16xf32>
        tpu.vector_store %arg10[%swap3A_446, %swap3A_447], %swap3A_450 {strides = array<i32>} : memref<32x512xf32, #tpu.memory_space<vmem>>, vector<1x16xf32>,
        %get3A_451 = arith.index_cast %scan3A_212 : i32 to index
        %get3A_452 = arith.constant 240 : index
        %get3A_453 = tpu.vector_load %arg8[%get3A_451, %get3A_452] {strides = array<i32>} : memref<32x512xf32, #tpu.memory_space<vmem>>, vector<1x16xf32>,
        %get3A_454 = vector.shape_cast %get3A_453 : vector<1x16xf32> to vector<16xf32>
        %add3A_455 = arith.constant 0 : i32
        %add3A_456 = arith.addi %add3A_455, %scan3A_212 : i32
        %get3A_457 = arith.index_cast %add3A_456 : i32 to index
        %get3A_458 = arith.constant 240 : index
        %get3A_459 = tpu.vector_load %arg6[%get3A_457, %get3A_458] {strides = array<i32>} : memref<64x512xf32, #tpu.memory_space<vmem>>, vector<1x16xf32>,
        %get3A_460 = vector.shape_cast %get3A_459 : vector<1x16xf32> to vector<16xf32>
        %add3A_461 = arith.addf %get3A_454, %get3A_460 : vector<16xf32>
        %swap3A_462 = arith.index_cast %scan3A_212 : i32 to index
        %swap3A_463 = arith.constant 240 : index
        %swap3A_464 = tpu.vector_load %arg10[%swap3A_462, %swap3A_463] {strides = array<i32>} : memref<32x512xf32, #tpu.memory_space<vmem>>, vector<1x16xf32>,
        %swap3A_465 = vector.shape_cast %swap3A_464 : vector<1x16xf32> to vector<16xf32>
        %swap3A_466 = vector.shape_cast %add3A_461 : vector<16xf32> to vector<1x16xf32>
        tpu.vector_store %arg10[%swap3A_462, %swap3A_463], %swap3A_466 {strides = array<i32>} : memref<32x512xf32, #tpu.memory_space<vmem>>, vector<1x16xf32>,
        %get3A_467 = arith.index_cast %scan3A_212 : i32 to index
        %get3A_468 = arith.constant 256 : index
        %get3A_469 = tpu.vector_load %arg8[%get3A_467, %get3A_468] {strides = array<i32>} : memref<32x512xf32, #tpu.memory_space<vmem>>, vector<1x16xf32>,
        %get3A_470 = vector.shape_cast %get3A_469 : vector<1x16xf32> to vector<16xf32>
        %add3A_471 = arith.constant 0 : i32
        %add3A_472 = arith.addi %add3A_471, %scan3A_212 : i32
        %get3A_473 = arith.index_cast %add3A_472 : i32 to index
        %get3A_474 = arith.constant 256 : index
        %get3A_475 = tpu.vector_load %arg6[%get3A_473, %get3A_474] {strides = array<i32>} : memref<64x512xf32, #tpu.memory_space<vmem>>, vector<1x16xf32>,
        %get3A_476 = vector.shape_cast %get3A_475 : vector<1x16xf32> to vector<16xf32>
        %add3A_477 = arith.addf %get3A_470, %get3A_476 : vector<16xf32>
        %swap3A_478 = arith.index_cast %scan3A_212 : i32 to index
        %swap3A_479 = arith.constant 256 : index
        %swap3A_480 = tpu.vector_load %arg10[%swap3A_478, %swap3A_479] {strides = array<i32>} : memref<32x512xf32, #tpu.memory_space<vmem>>, vector<1x16xf32>,
        %swap3A_481 = vector.shape_cast %swap3A_480 : vector<1x16xf32> to vector<16xf32>
        %swap3A_482 = vector.shape_cast %add3A_477 : vector<16xf32> to vector<1x16xf32>
        tpu.vector_store %arg10[%swap3A_478, %swap3A_479], %swap3A_482 {strides = array<i32>} : memref<32x512xf32, #tpu.memory_space<vmem>>, vector<1x16xf32>,
        %get3A_483 = arith.index_cast %scan3A_212 : i32 to index
        %get3A_484 = arith.constant 272 : index
        %get3A_485 = tpu.vector_load %arg8[%get3A_483, %get3A_484] {strides = array<i32>} : memref<32x512xf32, #tpu.memory_space<vmem>>, vector<1x16xf32>,
        %get3A_486 = vector.shape_cast %get3A_485 : vector<1x16xf32> to vector<16xf32>
        %add3A_487 = arith.constant 0 : i32
        %add3A_488 = arith.addi %add3A_487, %scan3A_212 : i32
        %get3A_489 = arith.index_cast %add3A_488 : i32 to index
        %get3A_490 = arith.constant 272 : index
        %get3A_491 = tpu.vector_load %arg6[%get3A_489, %get3A_490] {strides = array<i32>} : memref<64x512xf32, #tpu.memory_space<vmem>>, vector<1x16xf32>,
        %get3A_492 = vector.shape_cast %get3A_491 : vector<1x16xf32> to vector<16xf32>
        %add3A_493 = arith.addf %get3A_486, %get3A_492 : vector<16xf32>
        %swap3A_494 = arith.index_cast %scan3A_212 : i32 to index
        %swap3A_495 = arith.constant 272 : index
        %swap3A_496 = tpu.vector_load %arg10[%swap3A_494, %swap3A_495] {strides = array<i32>} : memref<32x512xf32, #tpu.memory_space<vmem>>, vector<1x16xf32>,
        %swap3A_497 = vector.shape_cast %swap3A_496 : vector<1x16xf32> to vector<16xf32>
        %swap3A_498 = vector.shape_cast %add3A_493 : vector<16xf32> to vector<1x16xf32>
        tpu.vector_store %arg10[%swap3A_494, %swap3A_495], %swap3A_498 {strides = array<i32>} : memref<32x512xf32, #tpu.memory_space<vmem>>, vector<1x16xf32>,
        %get3A_499 = arith.index_cast %scan3A_212 : i32 to index
        %get3A_500 = arith.constant 288 : index
        %get3A_501 = tpu.vector_load %arg8[%get3A_499, %get3A_500] {strides = array<i32>} : memref<32x512xf32, #tpu.memory_space<vmem>>, vector<1x16xf32>,
        %get3A_502 = vector.shape_cast %get3A_501 : vector<1x16xf32> to vector<16xf32>
        %add3A_503 = arith.constant 0 : i32
        %add3A_504 = arith.addi %add3A_503, %scan3A_212 : i32
        %get3A_505 = arith.index_cast %add3A_504 : i32 to index
        %get3A_506 = arith.constant 288 : index
        %get3A_507 = tpu.vector_load %arg6[%get3A_505, %get3A_506] {strides = array<i32>} : memref<64x512xf32, #tpu.memory_space<vmem>>, vector<1x16xf32>,
        %get3A_508 = vector.shape_cast %get3A_507 : vector<1x16xf32> to vector<16xf32>
        %add3A_509 = arith.addf %get3A_502, %get3A_508 : vector<16xf32>
        %swap3A_510 = arith.index_cast %scan3A_212 : i32 to index
        %swap3A_511 = arith.constant 288 : index
        %swap3A_512 = tpu.vector_load %arg10[%swap3A_510, %swap3A_511] {strides = array<i32>} : memref<32x512xf32, #tpu.memory_space<vmem>>, vector<1x16xf32>,
        %swap3A_513 = vector.shape_cast %swap3A_512 : vector<1x16xf32> to vector<16xf32>
        %swap3A_514 = vector.shape_cast %add3A_509 : vector<16xf32> to vector<1x16xf32>
        tpu.vector_store %arg10[%swap3A_510, %swap3A_511], %swap3A_514 {strides = array<i32>} : memref<32x512xf32, #tpu.memory_space<vmem>>, vector<1x16xf32>,
        %get3A_515 = arith.index_cast %scan3A_212 : i32 to index
        %get3A_516 = arith.constant 304 : index
        %get3A_517 = tpu.vector_load %arg8[%get3A_515, %get3A_516] {strides = array<i32>} : memref<32x512xf32, #tpu.memory_space<vmem>>, vector<1x16xf32>,
        %get3A_518 = vector.shape_cast %get3A_517 : vector<1x16xf32> to vector<16xf32>
        %add3A_519 = arith.constant 0 : i32
        %add3A_520 = arith.addi %add3A_519, %scan3A_212 : i32
        %get3A_521 = arith.index_cast %add3A_520 : i32 to index
        %get3A_522 = arith.constant 304 : index
        %get3A_523 = tpu.vector_load %arg6[%get3A_521, %get3A_522] {strides = array<i32>} : memref<64x512xf32, #tpu.memory_space<vmem>>, vector<1x16xf32>,
        %get3A_524 = vector.shape_cast %get3A_523 : vector<1x16xf32> to vector<16xf32>
        %add3A_525 = arith.addf %get3A_518, %get3A_524 : vector<16xf32>
        %swap3A_526 = arith.index_cast %scan3A_212 : i32 to index
        %swap3A_527 = arith.constant 304 : index
        %swap3A_528 = tpu.vector_load %arg10[%swap3A_526, %swap3A_527] {strides = array<i32>} : memref<32x512xf32, #tpu.memory_space<vmem>>, vector<1x16xf32>,
        %swap3A_529 = vector.shape_cast %swap3A_528 : vector<1x16xf32> to vector<16xf32>
        %swap3A_530 = vector.shape_cast %add3A_525 : vector<16xf32> to vector<1x16xf32>
        tpu.vector_store %arg10[%swap3A_526, %swap3A_527], %swap3A_530 {strides = array<i32>} : memref<32x512xf32, #tpu.memory_space<vmem>>, vector<1x16xf32>,
        %get3A_531 = arith.index_cast %scan3A_212 : i32 to index
        %get3A_532 = arith.constant 320 : index
        %get3A_533 = tpu.vector_load %arg8[%get3A_531, %get3A_532] {strides = array<i32>} : memref<32x512xf32, #tpu.memory_space<vmem>>, vector<1x16xf32>,
        %get3A_534 = vector.shape_cast %get3A_533 : vector<1x16xf32> to vector<16xf32>
        %add3A_535 = arith.constant 0 : i32
        %add3A_536 = arith.addi %add3A_535, %scan3A_212 : i32
        %get3A_537 = arith.index_cast %add3A_536 : i32 to index
        %get3A_538 = arith.constant 320 : index
        %get3A_539 = tpu.vector_load %arg6[%get3A_537, %get3A_538] {strides = array<i32>} : memref<64x512xf32, #tpu.memory_space<vmem>>, vector<1x16xf32>,
        %get3A_540 = vector.shape_cast %get3A_539 : vector<1x16xf32> to vector<16xf32>
        %add3A_541 = arith.addf %get3A_534, %get3A_540 : vector<16xf32>
        %swap3A_542 = arith.index_cast %scan3A_212 : i32 to index
        %swap3A_543 = arith.constant 320 : index
        %swap3A_544 = tpu.vector_load %arg10[%swap3A_542, %swap3A_543] {strides = array<i32>} : memref<32x512xf32, #tpu.memory_space<vmem>>, vector<1x16xf32>,
        %swap3A_545 = vector.shape_cast %swap3A_544 : vector<1x16xf32> to vector<16xf32>
        %swap3A_546 = vector.shape_cast %add3A_541 : vector<16xf32> to vector<1x16xf32>
        tpu.vector_store %arg10[%swap3A_542, %swap3A_543], %swap3A_546 {strides = array<i32>} : memref<32x512xf32, #tpu.memory_space<vmem>>, vector<1x16xf32>,
        %get3A_547 = arith.index_cast %scan3A_212 : i32 to index
        %get3A_548 = arith.constant 336 : index
        %get3A_549 = tpu.vector_load %arg8[%get3A_547, %get3A_548] {strides = array<i32>} : memref<32x512xf32, #tpu.memory_space<vmem>>, vector<1x16xf32>,
        %get3A_550 = vector.shape_cast %get3A_549 : vector<1x16xf32> to vector<16xf32>
        %add3A_551 = arith.constant 0 : i32
        %add3A_552 = arith.addi %add3A_551, %scan3A_212 : i32
        %get3A_553 = arith.index_cast %add3A_552 : i32 to index
        %get3A_554 = arith.constant 336 : index
        %get3A_555 = tpu.vector_load %arg6[%get3A_553, %get3A_554] {strides = array<i32>} : memref<64x512xf32, #tpu.memory_space<vmem>>, vector<1x16xf32>,
        %get3A_556 = vector.shape_cast %get3A_555 : vector<1x16xf32> to vector<16xf32>
        %add3A_557 = arith.addf %get3A_550, %get3A_556 : vector<16xf32>
        %swap3A_558 = arith.index_cast %scan3A_212 : i32 to index
        %swap3A_559 = arith.constant 336 : index
        %swap3A_560 = tpu.vector_load %arg10[%swap3A_558, %swap3A_559] {strides = array<i32>} : memref<32x512xf32, #tpu.memory_space<vmem>>, vector<1x16xf32>,
        %swap3A_561 = vector.shape_cast %swap3A_560 : vector<1x16xf32> to vector<16xf32>
        %swap3A_562 = vector.shape_cast %add3A_557 : vector<16xf32> to vector<1x16xf32>
        tpu.vector_store %arg10[%swap3A_558, %swap3A_559], %swap3A_562 {strides = array<i32>} : memref<32x512xf32, #tpu.memory_space<vmem>>, vector<1x16xf32>,
        %get3A_563 = arith.index_cast %scan3A_212 : i32 to index
        %get3A_564 = arith.constant 352 : index
        %get3A_565 = tpu.vector_load %arg8[%get3A_563, %get3A_564] {strides = array<i32>} : memref<32x512xf32, #tpu.memory_space<vmem>>, vector<1x16xf32>,
        %get3A_566 = vector.shape_cast %get3A_565 : vector<1x16xf32> to vector<16xf32>
        %add3A_567 = arith.constant 0 : i32
        %add3A_568 = arith.addi %add3A_567, %scan3A_212 : i32
        %get3A_569 = arith.index_cast %add3A_568 : i32 to index
        %get3A_570 = arith.constant 352 : index
        %get3A_571 = tpu.vector_load %arg6[%get3A_569, %get3A_570] {strides = array<i32>} : memref<64x512xf32, #tpu.memory_space<vmem>>, vector<1x16xf32>,
        %get3A_572 = vector.shape_cast %get3A_571 : vector<1x16xf32> to vector<16xf32>
        %add3A_573 = arith.addf %get3A_566, %get3A_572 : vector<16xf32>
        %swap3A_574 = arith.index_cast %scan3A_212 : i32 to index
        %swap3A_575 = arith.constant 352 : index
        %swap3A_576 = tpu.vector_load %arg10[%swap3A_574, %swap3A_575] {strides = array<i32>} : memref<32x512xf32, #tpu.memory_space<vmem>>, vector<1x16xf32>,
        %swap3A_577 = vector.shape_cast %swap3A_576 : vector<1x16xf32> to vector<16xf32>
        %swap3A_578 = vector.shape_cast %add3A_573 : vector<16xf32> to vector<1x16xf32>
        tpu.vector_store %arg10[%swap3A_574, %swap3A_575], %swap3A_578 {strides = array<i32>} : memref<32x512xf32, #tpu.memory_space<vmem>>, vector<1x16xf32>,
        %get3A_579 = arith.index_cast %scan3A_212 : i32 to index
        %get3A_580 = arith.constant 368 : index
        %get3A_581 = tpu.vector_load %arg8[%get3A_579, %get3A_580] {strides = array<i32>} : memref<32x512xf32, #tpu.memory_space<vmem>>, vector<1x16xf32>,
        %get3A_582 = vector.shape_cast %get3A_581 : vector<1x16xf32> to vector<16xf32>
        %add3A_583 = arith.constant 0 : i32
        %add3A_584 = arith.addi %add3A_583, %scan3A_212 : i32
        %get3A_585 = arith.index_cast %add3A_584 : i32 to index
        %get3A_586 = arith.constant 368 : index
        %get3A_587 = tpu.vector_load %arg6[%get3A_585, %get3A_586] {strides = array<i32>} : memref<64x512xf32, #tpu.memory_space<vmem>>, vector<1x16xf32>,
        %get3A_588 = vector.shape_cast %get3A_587 : vector<1x16xf32> to vector<16xf32>
        %add3A_589 = arith.addf %get3A_582, %get3A_588 : vector<16xf32>
        %swap3A_590 = arith.index_cast %scan3A_212 : i32 to index
        %swap3A_591 = arith.constant 368 : index
        %swap3A_592 = tpu.vector_load %arg10[%swap3A_590, %swap3A_591] {strides = array<i32>} : memref<32x512xf32, #tpu.memory_space<vmem>>, vector<1x16xf32>,
        %swap3A_593 = vector.shape_cast %swap3A_592 : vector<1x16xf32> to vector<16xf32>
        %swap3A_594 = vector.shape_cast %add3A_589 : vector<16xf32> to vector<1x16xf32>
        tpu.vector_store %arg10[%swap3A_590, %swap3A_591], %swap3A_594 {strides = array<i32>} : memref<32x512xf32, #tpu.memory_space<vmem>>, vector<1x16xf32>,
        %get3A_595 = arith.index_cast %scan3A_212 : i32 to index
        %get3A_596 = arith.constant 384 : index
        %get3A_597 = tpu.vector_load %arg8[%get3A_595, %get3A_596] {strides = array<i32>} : memref<32x512xf32, #tpu.memory_space<vmem>>, vector<1x16xf32>,
        %get3A_598 = vector.shape_cast %get3A_597 : vector<1x16xf32> to vector<16xf32>
        %add3A_599 = arith.constant 0 : i32
        %add3A_600 = arith.addi %add3A_599, %scan3A_212 : i32
        %get3A_601 = arith.index_cast %add3A_600 : i32 to index
        %get3A_602 = arith.constant 384 : index
        %get3A_603 = tpu.vector_load %arg6[%get3A_601, %get3A_602] {strides = array<i32>} : memref<64x512xf32, #tpu.memory_space<vmem>>, vector<1x16xf32>,
        %get3A_604 = vector.shape_cast %get3A_603 : vector<1x16xf32> to vector<16xf32>
        %add3A_605 = arith.addf %get3A_598, %get3A_604 : vector<16xf32>
        %swap3A_606 = arith.index_cast %scan3A_212 : i32 to index
        %swap3A_607 = arith.constant 384 : index
        %swap3A_608 = tpu.vector_load %arg10[%swap3A_606, %swap3A_607] {strides = array<i32>} : memref<32x512xf32, #tpu.memory_space<vmem>>, vector<1x16xf32>,
        %swap3A_609 = vector.shape_cast %swap3A_608 : vector<1x16xf32> to vector<16xf32>
        %swap3A_610 = vector.shape_cast %add3A_605 : vector<16xf32> to vector<1x16xf32>
        tpu.vector_store %arg10[%swap3A_606, %swap3A_607], %swap3A_610 {strides = array<i32>} : memref<32x512xf32, #tpu.memory_space<vmem>>, vector<1x16xf32>,
        %get3A_611 = arith.index_cast %scan3A_212 : i32 to index
        %get3A_612 = arith.constant 400 : index
        %get3A_613 = tpu.vector_load %arg8[%get3A_611, %get3A_612] {strides = array<i32>} : memref<32x512xf32, #tpu.memory_space<vmem>>, vector<1x16xf32>,
        %get3A_614 = vector.shape_cast %get3A_613 : vector<1x16xf32> to vector<16xf32>
        %add3A_615 = arith.constant 0 : i32
        %add3A_616 = arith.addi %add3A_615, %scan3A_212 : i32
        %get3A_617 = arith.index_cast %add3A_616 : i32 to index
        %get3A_618 = arith.constant 400 : index
        %get3A_619 = tpu.vector_load %arg6[%get3A_617, %get3A_618] {strides = array<i32>} : memref<64x512xf32, #tpu.memory_space<vmem>>, vector<1x16xf32>,
        %get3A_620 = vector.shape_cast %get3A_619 : vector<1x16xf32> to vector<16xf32>
        %add3A_621 = arith.addf %get3A_614, %get3A_620 : vector<16xf32>
        %swap3A_622 = arith.index_cast %scan3A_212 : i32 to index
        %swap3A_623 = arith.constant 400 : index
        %swap3A_624 = tpu.vector_load %arg10[%swap3A_622, %swap3A_623] {strides = array<i32>} : memref<32x512xf32, #tpu.memory_space<vmem>>, vector<1x16xf32>,
        %swap3A_625 = vector.shape_cast %swap3A_624 : vector<1x16xf32> to vector<16xf32>
        %swap3A_626 = vector.shape_cast %add3A_621 : vector<16xf32> to vector<1x16xf32>
        tpu.vector_store %arg10[%swap3A_622, %swap3A_623], %swap3A_626 {strides = array<i32>} : memref<32x512xf32, #tpu.memory_space<vmem>>, vector<1x16xf32>,
        %get3A_627 = arith.index_cast %scan3A_212 : i32 to index
        %get3A_628 = arith.constant 416 : index
        %get3A_629 = tpu.vector_load %arg8[%get3A_627, %get3A_628] {strides = array<i32>} : memref<32x512xf32, #tpu.memory_space<vmem>>, vector<1x16xf32>,
        %get3A_630 = vector.shape_cast %get3A_629 : vector<1x16xf32> to vector<16xf32>
        %add3A_631 = arith.constant 0 : i32
        %add3A_632 = arith.addi %add3A_631, %scan3A_212 : i32
        %get3A_633 = arith.index_cast %add3A_632 : i32 to index
        %get3A_634 = arith.constant 416 : index
        %get3A_635 = tpu.vector_load %arg6[%get3A_633, %get3A_634] {strides = array<i32>} : memref<64x512xf32, #tpu.memory_space<vmem>>, vector<1x16xf32>,
        %get3A_636 = vector.shape_cast %get3A_635 : vector<1x16xf32> to vector<16xf32>
        %add3A_637 = arith.addf %get3A_630, %get3A_636 : vector<16xf32>
        %swap3A_638 = arith.index_cast %scan3A_212 : i32 to index
        %swap3A_639 = arith.constant 416 : index
        %swap3A_640 = tpu.vector_load %arg10[%swap3A_638, %swap3A_639] {strides = array<i32>} : memref<32x512xf32, #tpu.memory_space<vmem>>, vector<1x16xf32>,
        %swap3A_641 = vector.shape_cast %swap3A_640 : vector<1x16xf32> to vector<16xf32>
        %swap3A_642 = vector.shape_cast %add3A_637 : vector<16xf32> to vector<1x16xf32>
        tpu.vector_store %arg10[%swap3A_638, %swap3A_639], %swap3A_642 {strides = array<i32>} : memref<32x512xf32, #tpu.memory_space<vmem>>, vector<1x16xf32>,
        %get3A_643 = arith.index_cast %scan3A_212 : i32 to index
        %get3A_644 = arith.constant 432 : index
        %get3A_645 = tpu.vector_load %arg8[%get3A_643, %get3A_644] {strides = array<i32>} : memref<32x512xf32, #tpu.memory_space<vmem>>, vector<1x16xf32>,
        %get3A_646 = vector.shape_cast %get3A_645 : vector<1x16xf32> to vector<16xf32>
        %add3A_647 = arith.constant 0 : i32
        %add3A_648 = arith.addi %add3A_647, %scan3A_212 : i32
        %get3A_649 = arith.index_cast %add3A_648 : i32 to index
        %get3A_650 = arith.constant 432 : index
        %get3A_651 = tpu.vector_load %arg6[%get3A_649, %get3A_650] {strides = array<i32>} : memref<64x512xf32, #tpu.memory_space<vmem>>, vector<1x16xf32>,
        %get3A_652 = vector.shape_cast %get3A_651 : vector<1x16xf32> to vector<16xf32>
        %add3A_653 = arith.addf %get3A_646, %get3A_652 : vector<16xf32>
        %swap3A_654 = arith.index_cast %scan3A_212 : i32 to index
        %swap3A_655 = arith.constant 432 : index
        %swap3A_656 = tpu.vector_load %arg10[%swap3A_654, %swap3A_655] {strides = array<i32>} : memref<32x512xf32, #tpu.memory_space<vmem>>, vector<1x16xf32>,
        %swap3A_657 = vector.shape_cast %swap3A_656 : vector<1x16xf32> to vector<16xf32>
        %swap3A_658 = vector.shape_cast %add3A_653 : vector<16xf32> to vector<1x16xf32>
        tpu.vector_store %arg10[%swap3A_654, %swap3A_655], %swap3A_658 {strides = array<i32>} : memref<32x512xf32, #tpu.memory_space<vmem>>, vector<1x16xf32>,
        %get3A_659 = arith.index_cast %scan3A_212 : i32 to index
        %get3A_660 = arith.constant 448 : index
        %get3A_661 = tpu.vector_load %arg8[%get3A_659, %get3A_660] {strides = array<i32>} : memref<32x512xf32, #tpu.memory_space<vmem>>, vector<1x16xf32>,
        %get3A_662 = vector.shape_cast %get3A_661 : vector<1x16xf32> to vector<16xf32>
        %add3A_663 = arith.constant 0 : i32
        %add3A_664 = arith.addi %add3A_663, %scan3A_212 : i32
        %get3A_665 = arith.index_cast %add3A_664 : i32 to index
        %get3A_666 = arith.constant 448 : index
        %get3A_667 = tpu.vector_load %arg6[%get3A_665, %get3A_666] {strides = array<i32>} : memref<64x512xf32, #tpu.memory_space<vmem>>, vector<1x16xf32>,
        %get3A_668 = vector.shape_cast %get3A_667 : vector<1x16xf32> to vector<16xf32>
        %add3A_669 = arith.addf %get3A_662, %get3A_668 : vector<16xf32>
        %swap3A_670 = arith.index_cast %scan3A_212 : i32 to index
        %swap3A_671 = arith.constant 448 : index
        %swap3A_672 = tpu.vector_load %arg10[%swap3A_670, %swap3A_671] {strides = array<i32>} : memref<32x512xf32, #tpu.memory_space<vmem>>, vector<1x16xf32>,
        %swap3A_673 = vector.shape_cast %swap3A_672 : vector<1x16xf32> to vector<16xf32>
        %swap3A_674 = vector.shape_cast %add3A_669 : vector<16xf32> to vector<1x16xf32>
        tpu.vector_store %arg10[%swap3A_670, %swap3A_671], %swap3A_674 {strides = array<i32>} : memref<32x512xf32, #tpu.memory_space<vmem>>, vector<1x16xf32>,
        %get3A_675 = arith.index_cast %scan3A_212 : i32 to index
        %get3A_676 = arith.constant 464 : index
        %get3A_677 = tpu.vector_load %arg8[%get3A_675, %get3A_676] {strides = array<i32>} : memref<32x512xf32, #tpu.memory_space<vmem>>, vector<1x16xf32>,
        %get3A_678 = vector.shape_cast %get3A_677 : vector<1x16xf32> to vector<16xf32>
        %add3A_679 = arith.constant 0 : i32
        %add3A_680 = arith.addi %add3A_679, %scan3A_212 : i32
        %get3A_681 = arith.index_cast %add3A_680 : i32 to index
        %get3A_682 = arith.constant 464 : index
        %get3A_683 = tpu.vector_load %arg6[%get3A_681, %get3A_682] {strides = array<i32>} : memref<64x512xf32, #tpu.memory_space<vmem>>, vector<1x16xf32>,
        %get3A_684 = vector.shape_cast %get3A_683 : vector<1x16xf32> to vector<16xf32>
        %add3A_685 = arith.addf %get3A_678, %get3A_684 : vector<16xf32>
        %swap3A_686 = arith.index_cast %scan3A_212 : i32 to index
        %swap3A_687 = arith.constant 464 : index
        %swap3A_688 = tpu.vector_load %arg10[%swap3A_686, %swap3A_687] {strides = array<i32>} : memref<32x512xf32, #tpu.memory_space<vmem>>, vector<1x16xf32>,
        %swap3A_689 = vector.shape_cast %swap3A_688 : vector<1x16xf32> to vector<16xf32>
        %swap3A_690 = vector.shape_cast %add3A_685 : vector<16xf32> to vector<1x16xf32>
        tpu.vector_store %arg10[%swap3A_686, %swap3A_687], %swap3A_690 {strides = array<i32>} : memref<32x512xf32, #tpu.memory_space<vmem>>, vector<1x16xf32>,
        %get3A_691 = arith.index_cast %scan3A_212 : i32 to index
        %get3A_692 = arith.constant 480 : index
        %get3A_693 = tpu.vector_load %arg8[%get3A_691, %get3A_692] {strides = array<i32>} : memref<32x512xf32, #tpu.memory_space<vmem>>, vector<1x16xf32>,
        %get3A_694 = vector.shape_cast %get3A_693 : vector<1x16xf32> to vector<16xf32>
        %add3A_695 = arith.constant 0 : i32
        %add3A_696 = arith.addi %add3A_695, %scan3A_212 : i32
        %get3A_697 = arith.index_cast %add3A_696 : i32 to index
        %get3A_698 = arith.constant 480 : index
        %get3A_699 = tpu.vector_load %arg6[%get3A_697, %get3A_698] {strides = array<i32>} : memref<64x512xf32, #tpu.memory_space<vmem>>, vector<1x16xf32>,
        %get3A_700 = vector.shape_cast %get3A_699 : vector<1x16xf32> to vector<16xf32>
        %add3A_701 = arith.addf %get3A_694, %get3A_700 : vector<16xf32>
        %swap3A_702 = arith.index_cast %scan3A_212 : i32 to index
        %swap3A_703 = arith.constant 480 : index
        %swap3A_704 = tpu.vector_load %arg10[%swap3A_702, %swap3A_703] {strides = array<i32>} : memref<32x512xf32, #tpu.memory_space<vmem>>, vector<1x16xf32>,
        %swap3A_705 = vector.shape_cast %swap3A_704 : vector<1x16xf32> to vector<16xf32>
        %swap3A_706 = vector.shape_cast %add3A_701 : vector<16xf32> to vector<1x16xf32>
        tpu.vector_store %arg10[%swap3A_702, %swap3A_703], %swap3A_706 {strides = array<i32>} : memref<32x512xf32, #tpu.memory_space<vmem>>, vector<1x16xf32>,
        %get3A_707 = arith.index_cast %scan3A_212 : i32 to index
        %get3A_708 = arith.constant 496 : index
        %get3A_709 = tpu.vector_load %arg8[%get3A_707, %get3A_708] {strides = array<i32>} : memref<32x512xf32, #tpu.memory_space<vmem>>, vector<1x16xf32>,
        %get3A_710 = vector.shape_cast %get3A_709 : vector<1x16xf32> to vector<16xf32>
        %add3A_711 = arith.constant 0 : i32
        %add3A_712 = arith.addi %add3A_711, %scan3A_212 : i32
        %get3A_713 = arith.index_cast %add3A_712 : i32 to index
        %get3A_714 = arith.constant 496 : index
        %get3A_715 = tpu.vector_load %arg6[%get3A_713, %get3A_714] {strides = array<i32>} : memref<64x512xf32, #tpu.memory_space<vmem>>, vector<1x16xf32>,
        %get3A_716 = vector.shape_cast %get3A_715 : vector<1x16xf32> to vector<16xf32>
        %add3A_717 = arith.addf %get3A_710, %get3A_716 : vector<16xf32>
        %swap3A_718 = arith.index_cast %scan3A_212 : i32 to index
        %swap3A_719 = arith.constant 496 : index
        %swap3A_720 = tpu.vector_load %arg10[%swap3A_718, %swap3A_719] {strides = array<i32>} : memref<32x512xf32, #tpu.memory_space<vmem>>, vector<1x16xf32>,
        %swap3A_721 = vector.shape_cast %swap3A_720 : vector<1x16xf32> to vector<16xf32>
        %swap3A_722 = vector.shape_cast %add3A_717 : vector<16xf32> to vector<1x16xf32>
        tpu.vector_store %arg10[%swap3A_718, %swap3A_719], %swap3A_722 {strides = array<i32>} : memref<32x512xf32, #tpu.memory_space<vmem>>, vector<1x16xf32>,
      }
      %scan3A_142 = arith.constant 32 : i32
      %dma_start3A_143 = arith.constant 0 : i32
      %dma_start3A_144 = arith.constant 0 : i32
      %dma_start3A_145 = tpu.memref_slice %arg5[%scan3A_62, %add3A, %dma_start3A_143, %dma_start3A_144] : memref<64x32x64x512xf32, #tpu.memory_space<hbm>> -> memref<1x1x32x512xf32, #tpu.memory_space<hbm>>
      %dma_start3A_146 = tpu.memref_squeeze %dma_start3A_145 : memref<1x1x32x512xf32, #tpu.memory_space<hbm>> -> memref<32x512xf32, #tpu.memory_space<hbm>>
      %dma_start3A_147 = arith.constant 0 : i32
      %dma_start3A_148 = arith.constant 0 : i32
      %dma_start3A_149 = tpu.memref_slice %arg5[%scan3A_62, %add3A, %dma_start3A_147, %dma_start3A_148] : memref<64x32x64x512xf32, #tpu.memory_space<hbm>> -> memref<1x1x32x512xf32, #tpu.memory_space<hbm>>
      %dma_start3A_150 = tpu.memref_squeeze %dma_start3A_149 : memref<1x1x32x512xf32, #tpu.memory_space<hbm>> -> memref<32x512xf32, #tpu.memory_space<hbm>>
      tpu.enqueue_dma source(%arg10 : memref<32x512xf32, #tpu.memory_space<vmem>>) target(%dma_start3A_150 : memref<32x512xf32, #tpu.memory_space<hbm>>) target_semaphore(%arg16 : memref<!tpu.dma_semaphore, #tpu.memory_space<semaphore_mem>>)
      %add3A_151 = arith.constant 1 : i32
      %add3A_152 = arith.addi %scan3A_62, %add3A_151 : i32
      %lt3A = arith.constant 64 : i32
      %lt3A_153 = arith.cmpi slt, %add3A_152, %lt3A : i32
      %convert_element_type3A_154 = arith.extui %lt3A_153 : i1 to i32
      %cond3A_155 = arith.constant 0 : i32
      %cond3A_156 = arith.cmpi ne, %convert_element_type3A_154, %cond3A_155 : i32
      scf.if %cond3A_156 {
        %add3A_212 = arith.constant 1 : i32
        %add3A_213 = arith.addi %scan3A_62, %add3A_212 : i32
        %dma_start3A_214 = arith.constant 0 : i32
        %dma_start3A_215 = arith.constant 0 : i32
        %dma_start3A_216 = tpu.memref_slice %arg8[%dma_start3A_214, %dma_start3A_215] : memref<32x512xf32, #tpu.memory_space<vmem>> -> memref<8x512xf32, #tpu.memory_space<vmem>>
        %dma_start3A_217 = arith.constant 0 : i32
        %dma_start3A_218 = tpu.memref_slice %arg7[%add3A_213, %dma_start3A_217] : memref<64x64xi32, #tpu.memory_space<vmem>> -> memref<1x8xi32, #tpu.memory_space<vmem>>
        %dma_start3A_219 = tpu.memref_squeeze %dma_start3A_218 : memref<1x8xi32, #tpu.memory_space<vmem>> -> memref<8xi32, #tpu.memory_space<vmem>>
        %dma_start3A_220 = arith.constant 0 : i32
        %dma_start3A_221 = arith.constant 0 : i32
        %dma_start3A_222 = tpu.memref_slice %arg3[%dma_start3A_220, %dma_start3A_221] : memref<2432x512xf32, #tpu.memory_space<hbm>> -> memref<2432x512xf32, #tpu.memory_space<hbm>>
        tpu.enqueue_indirect_dma source(%dma_start3A_222 : memref<2432x512xf32, #tpu.memory_space<hbm>>) target(%dma_start3A_216 : memref<8x512xf32, #tpu.memory_space<vmem>>) offsets(%dma_start3A_219 : memref<8xi32, #tpu.memory_space<vmem>>) semaphore(%arg12 : memref<!tpu.dma_semaphore, #tpu.memory_space<semaphore_mem>>)
        %dma_start3A_223 = arith.constant 8 : i32
        %dma_start3A_224 = arith.constant 0 : i32
        %dma_start3A_225 = tpu.memref_slice %arg8[%dma_start3A_223, %dma_start3A_224] : memref<32x512xf32, #tpu.memory_space<vmem>> -> memref<8x512xf32, #tpu.memory_space<vmem>>
        %dma_start3A_226 = arith.constant 8 : i32
        %dma_start3A_227 = tpu.memref_slice %arg7[%add3A_213, %dma_start3A_226] : memref<64x64xi32, #tpu.memory_space<vmem>> -> memref<1x8xi32, #tpu.memory_space<vmem>>
        %dma_start3A_228 = tpu.memref_squeeze %dma_start3A_227 : memref<1x8xi32, #tpu.memory_space<vmem>> -> memref<8xi32, #tpu.memory_space<vmem>>
        %dma_start3A_229 = arith.constant 0 : i32
        %dma_start3A_230 = arith.constant 0 : i32
        %dma_start3A_231 = tpu.memref_slice %arg3[%dma_start3A_229, %dma_start3A_230] : memref<2432x512xf32, #tpu.memory_space<hbm>> -> memref<2432x512xf32, #tpu.memory_space<hbm>>
        tpu.enqueue_indirect_dma source(%dma_start3A_231 : memref<2432x512xf32, #tpu.memory_space<hbm>>) target(%dma_start3A_225 : memref<8x512xf32, #tpu.memory_space<vmem>>) offsets(%dma_start3A_228 : memref<8xi32, #tpu.memory_space<vmem>>) semaphore(%arg13 : memref<!tpu.dma_semaphore, #tpu.memory_space<semaphore_mem>>)
        %dma_start3A_232 = arith.constant 16 : i32
        %dma_start3A_233 = arith.constant 0 : i32
        %dma_start3A_234 = tpu.memref_slice %arg8[%dma_start3A_232, %dma_start3A_233] : memref<32x512xf32, #tpu.memory_space<vmem>> -> memref<8x512xf32, #tpu.memory_space<vmem>>
        %dma_start3A_235 = arith.constant 16 : i32
        %dma_start3A_236 = tpu.memref_slice %arg7[%add3A_213, %dma_start3A_235] : memref<64x64xi32, #tpu.memory_space<vmem>> -> memref<1x8xi32, #tpu.memory_space<vmem>>
        %dma_start3A_237 = tpu.memref_squeeze %dma_start3A_236 : memref<1x8xi32, #tpu.memory_space<vmem>> -> memref<8xi32, #tpu.memory_space<vmem>>
        %dma_start3A_238 = arith.constant 0 : i32
        %dma_start3A_239 = arith.constant 0 : i32
        %dma_start3A_240 = tpu.memref_slice %arg3[%dma_start3A_238, %dma_start3A_239] : memref<2432x512xf32, #tpu.memory_space<hbm>> -> memref<2432x512xf32, #tpu.memory_space<hbm>>
        tpu.enqueue_indirect_dma source(%dma_start3A_240 : memref<2432x512xf32, #tpu.memory_space<hbm>>) target(%dma_start3A_234 : memref<8x512xf32, #tpu.memory_space<vmem>>) offsets(%dma_start3A_237 : memref<8xi32, #tpu.memory_space<vmem>>) semaphore(%arg12 : memref<!tpu.dma_semaphore, #tpu.memory_space<semaphore_mem>>)
        %dma_start3A_241 = arith.constant 24 : i32
        %dma_start3A_242 = arith.constant 0 : i32
        %dma_start3A_243 = tpu.memref_slice %arg8[%dma_start3A_241, %dma_start3A_242] : memref<32x512xf32, #tpu.memory_space<vmem>> -> memref<8x512xf32, #tpu.memory_space<vmem>>
        %dma_start3A_244 = arith.constant 24 : i32
        %dma_start3A_245 = tpu.memref_slice %arg7[%add3A_213, %dma_start3A_244] : memref<64x64xi32, #tpu.memory_space<vmem>> -> memref<1x8xi32, #tpu.memory_space<vmem>>
        %dma_start3A_246 = tpu.memref_squeeze %dma_start3A_245 : memref<1x8xi32, #tpu.memory_space<vmem>> -> memref<8xi32, #tpu.memory_space<vmem>>
        %dma_start3A_247 = arith.constant 0 : i32
        %dma_start3A_248 = arith.constant 0 : i32
        %dma_start3A_249 = tpu.memref_slice %arg3[%dma_start3A_247, %dma_start3A_248] : memref<2432x512xf32, #tpu.memory_space<hbm>> -> memref<2432x512xf32, #tpu.memory_space<hbm>>
        tpu.enqueue_indirect_dma source(%dma_start3A_249 : memref<2432x512xf32, #tpu.memory_space<hbm>>) target(%dma_start3A_243 : memref<8x512xf32, #tpu.memory_space<vmem>>) offsets(%dma_start3A_246 : memref<8xi32, #tpu.memory_space<vmem>>) semaphore(%arg13 : memref<!tpu.dma_semaphore, #tpu.memory_space<semaphore_mem>>)
      } else {
      }
      %dma_wait3A_157 = arith.constant 0 : i32
      %dma_wait3A_158 = arith.constant 0 : i32
      %dma_wait3A_159 = tpu.memref_slice %arg9[%dma_wait3A_157, %dma_wait3A_158] : memref<32x512xf32, #tpu.memory_space<vmem>> -> memref<8x512xf32, #tpu.memory_space<vmem>>
      %dma_wait3A_160 = arith.constant 32 : i32
      %dma_wait3A_161 = tpu.memref_slice %arg7[%scan3A_62, %dma_wait3A_160] : memref<64x64xi32, #tpu.memory_space<vmem>> -> memref<1x8xi32, #tpu.memory_space<vmem>>
      %dma_wait3A_162 = tpu.memref_squeeze %dma_wait3A_161 : memref<1x8xi32, #tpu.memory_space<vmem>> -> memref<8xi32, #tpu.memory_space<vmem>>
      %dma_wait3A_163 = arith.constant 0 : i32
      %dma_wait3A_164 = arith.constant 0 : i32
      %dma_wait3A_165 = tpu.memref_slice %arg3[%dma_wait3A_163, %dma_wait3A_164] : memref<2432x512xf32, #tpu.memory_space<hbm>> -> memref<2432x512xf32, #tpu.memory_space<hbm>>
      tpu.wait_indirect_dma semaphore(%arg14 : memref<!tpu.dma_semaphore, #tpu.memory_space<semaphore_mem>>) src(%dma_wait3A_165 : memref<2432x512xf32, #tpu.memory_space<hbm>>) dst(%dma_wait3A_159 : memref<8x512xf32, #tpu.memory_space<vmem>>)
      %dma_wait3A_166 = arith.constant 8 : i32
      %dma_wait3A_167 = arith.constant 0 : i32
      %dma_wait3A_168 = tpu.memref_slice %arg9[%dma_wait3A_166, %dma_wait3A_167] : memref<32x512xf32, #tpu.memory_space<vmem>> -> memref<8x512xf32, #tpu.memory_space<vmem>>
      %dma_wait3A_169 = arith.constant 40 : i32
      %dma_wait3A_170 = tpu.memref_slice %arg7[%scan3A_62, %dma_wait3A_169] : memref<64x64xi32, #tpu.memory_space<vmem>> -> memref<1x8xi32, #tpu.memory_space<vmem>>
      %dma_wait3A_171 = tpu.memref_squeeze %dma_wait3A_170 : memref<1x8xi32, #tpu.memory_space<vmem>> -> memref<8xi32, #tpu.memory_space<vmem>>
      %dma_wait3A_172 = arith.constant 0 : i32
      %dma_wait3A_173 = arith.constant 0 : i32
      %dma_wait3A_174 = tpu.memref_slice %arg3[%dma_wait3A_172, %dma_wait3A_173] : memref<2432x512xf32, #tpu.memory_space<hbm>> -> memref<2432x512xf32, #tpu.memory_space<hbm>>
      tpu.wait_indirect_dma semaphore(%arg15 : memref<!tpu.dma_semaphore, #tpu.memory_space<semaphore_mem>>) src(%dma_wait3A_174 : memref<2432x512xf32, #tpu.memory_space<hbm>>) dst(%dma_wait3A_168 : memref<8x512xf32, #tpu.memory_space<vmem>>)
      %dma_wait3A_175 = arith.constant 16 : i32
      %dma_wait3A_176 = arith.constant 0 : i32
      %dma_wait3A_177 = tpu.memref_slice %arg9[%dma_wait3A_175, %dma_wait3A_176] : memref<32x512xf32, #tpu.memory_space<vmem>> -> memref<8x512xf32, #tpu.memory_space<vmem>>
      %dma_wait3A_178 = arith.constant 48 : i32
      %dma_wait3A_179 = tpu.memref_slice %arg7[%scan3A_62, %dma_wait3A_178] : memref<64x64xi32, #tpu.memory_space<vmem>> -> memref<1x8xi32, #tpu.memory_space<vmem>>
      %dma_wait3A_180 = tpu.memref_squeeze %dma_wait3A_179 : memref<1x8xi32, #tpu.memory_space<vmem>> -> memref<8xi32, #tpu.memory_space<vmem>>
      %dma_wait3A_181 = arith.constant 0 : i32
      %dma_wait3A_182 = arith.constant 0 : i32
      %dma_wait3A_183 = tpu.memref_slice %arg3[%dma_wait3A_181, %dma_wait3A_182] : memref<2432x512xf32, #tpu.memory_space<hbm>> -> memref<2432x512xf32, #tpu.memory_space<hbm>>
      tpu.wait_indirect_dma semaphore(%arg14 : memref<!tpu.dma_semaphore, #tpu.memory_space<semaphore_mem>>) src(%dma_wait3A_183 : memref<2432x512xf32, #tpu.memory_space<hbm>>) dst(%dma_wait3A_177 : memref<8x512xf32, #tpu.memory_space<vmem>>)
      %dma_wait3A_184 = arith.constant 24 : i32
      %dma_wait3A_185 = arith.constant 0 : i32
      %dma_wait3A_186 = tpu.memref_slice %arg9[%dma_wait3A_184, %dma_wait3A_185] : memref<32x512xf32, #tpu.memory_space<vmem>> -> memref<8x512xf32, #tpu.memory_space<vmem>>
      %dma_wait3A_187 = arith.constant 56 : i32
      %dma_wait3A_188 = tpu.memref_slice %arg7[%scan3A_62, %dma_wait3A_187] : memref<64x64xi32, #tpu.memory_space<vmem>> -> memref<1x8xi32, #tpu.memory_space<vmem>>
      %dma_wait3A_189 = tpu.memref_squeeze %dma_wait3A_188 : memref<1x8xi32, #tpu.memory_space<vmem>> -> memref<8xi32, #tpu.memory_space<vmem>>
      %dma_wait3A_190 = arith.constant 0 : i32
      %dma_wait3A_191 = arith.constant 0 : i32
      %dma_wait3A_192 = tpu.memref_slice %arg3[%dma_wait3A_190, %dma_wait3A_191] : memref<2432x512xf32, #tpu.memory_space<hbm>> -> memref<2432x512xf32, #tpu.memory_space<hbm>>
      tpu.wait_indirect_dma semaphore(%arg15 : memref<!tpu.dma_semaphore, #tpu.memory_space<semaphore_mem>>) src(%dma_wait3A_192 : memref<2432x512xf32, #tpu.memory_space<hbm>>) dst(%dma_wait3A_186 : memref<8x512xf32, #tpu.memory_space<vmem>>)
      %gt3A_193 = arith.constant 0 : i32
      %gt3A_194 = arith.cmpi sgt, %scan3A_62, %gt3A_193 : i32
      %convert_element_type3A_195 = arith.extui %gt3A_194 : i1 to i32
      %cond3A_196 = arith.constant 0 : i32
      %cond3A_197 = arith.cmpi ne, %convert_element_type3A_195, %cond3A_196 : i32
      scf.if %cond3A_197 {
        %sub3A = arith.constant 1 : i32
        %sub3A_212 = arith.subi %scan3A_62, %sub3A : i32
        %dma_wait3A_213 = arith.constant 32 : i32
        %dma_wait3A_214 = arith.constant 0 : i32
        %dma_wait3A_215 = tpu.memref_slice %arg5[%sub3A_212, %add3A, %dma_wait3A_213, %dma_wait3A_214] : memref<64x32x64x512xf32, #tpu.memory_space<hbm>> -> memref<1x1x32x512xf32, #tpu.memory_space<hbm>>
        %dma_wait3A_216 = tpu.memref_squeeze %dma_wait3A_215 : memref<1x1x32x512xf32, #tpu.memory_space<hbm>> -> memref<32x512xf32, #tpu.memory_space<hbm>>
        %dma_wait3A_217 = arith.constant 32 : i32
        %dma_wait3A_218 = arith.constant 0 : i32
        %dma_wait3A_219 = tpu.memref_slice %arg5[%sub3A_212, %add3A, %dma_wait3A_217, %dma_wait3A_218] : memref<64x32x64x512xf32, #tpu.memory_space<hbm>> -> memref<1x1x32x512xf32, #tpu.memory_space<hbm>>
        %dma_wait3A_220 = tpu.memref_squeeze %dma_wait3A_219 : memref<1x1x32x512xf32, #tpu.memory_space<hbm>> -> memref<32x512xf32, #tpu.memory_space<hbm>>
        tpu.wait_dma2 semaphore(%arg17 : memref<!tpu.dma_semaphore, #tpu.memory_space<semaphore_mem>>) src(%arg11 : memref<32x512xf32, #tpu.memory_space<vmem>>) dst(%dma_wait3A_220 : memref<32x512xf32, #tpu.memory_space<hbm>>)
      } else {
      }
      %scan3A_198 = arith.constant 0 : i32
      %scan3A_199 = arith.constant 0 : i32
      %scan3A_200 = arith.constant 32 : i32
      %scan3A_201 = arith.addi %scan3A_199, %scan3A_200 : i32
      %scan3A_202 = arith.constant 1 : i32
      scf.for %scan3A_212 = %scan3A_199 to %scan3A_201 step %scan3A_202  : i32 {
        %get3A = arith.index_cast %scan3A_212 : i32 to index
        %get3A_213 = arith.constant 0 : index
        %get3A_214 = tpu.vector_load %arg9[%get3A, %get3A_213] {strides = array<i32>} : memref<32x512xf32, #tpu.memory_space<vmem>>, vector<1x16xf32>,
        %get3A_215 = vector.shape_cast %get3A_214 : vector<1x16xf32> to vector<16xf32>
        %add3A_216 = arith.constant 32 : i32
        %add3A_217 = arith.addi %add3A_216, %scan3A_212 : i32
        %get3A_218 = arith.index_cast %add3A_217 : i32 to index
        %get3A_219 = arith.constant 0 : index
        %get3A_220 = tpu.vector_load %arg6[%get3A_218, %get3A_219] {strides = array<i32>} : memref<64x512xf32, #tpu.memory_space<vmem>>, vector<1x16xf32>,
        %get3A_221 = vector.shape_cast %get3A_220 : vector<1x16xf32> to vector<16xf32>
        %add3A_222 = arith.addf %get3A_215, %get3A_221 : vector<16xf32>
        %swap3A = arith.index_cast %scan3A_212 : i32 to index
        %swap3A_223 = arith.constant 0 : index
        %swap3A_224 = tpu.vector_load %arg11[%swap3A, %swap3A_223] {strides = array<i32>} : memref<32x512xf32, #tpu.memory_space<vmem>>, vector<1x16xf32>,
        %swap3A_225 = vector.shape_cast %swap3A_224 : vector<1x16xf32> to vector<16xf32>
        %swap3A_226 = vector.shape_cast %add3A_222 : vector<16xf32> to vector<1x16xf32>
        tpu.vector_store %arg11[%swap3A, %swap3A_223], %swap3A_226 {strides = array<i32>} : memref<32x512xf32, #tpu.memory_space<vmem>>, vector<1x16xf32>,
        %get3A_227 = arith.index_cast %scan3A_212 : i32 to index
        %get3A_228 = arith.constant 16 : index
        %get3A_229 = tpu.vector_load %arg9[%get3A_227, %get3A_228] {strides = array<i32>} : memref<32x512xf32, #tpu.memory_space<vmem>>, vector<1x16xf32>,
        %get3A_230 = vector.shape_cast %get3A_229 : vector<1x16xf32> to vector<16xf32>
        %add3A_231 = arith.constant 32 : i32
        %add3A_232 = arith.addi %add3A_231, %scan3A_212 : i32
        %get3A_233 = arith.index_cast %add3A_232 : i32 to index
        %get3A_234 = arith.constant 16 : index
        %get3A_235 = tpu.vector_load %arg6[%get3A_233, %get3A_234] {strides = array<i32>} : memref<64x512xf32, #tpu.memory_space<vmem>>, vector<1x16xf32>,
        %get3A_236 = vector.shape_cast %get3A_235 : vector<1x16xf32> to vector<16xf32>
        %add3A_237 = arith.addf %get3A_230, %get3A_236 : vector<16xf32>
        %swap3A_238 = arith.index_cast %scan3A_212 : i32 to index
        %swap3A_239 = arith.constant 16 : index
        %swap3A_240 = tpu.vector_load %arg11[%swap3A_238, %swap3A_239] {strides = array<i32>} : memref<32x512xf32, #tpu.memory_space<vmem>>, vector<1x16xf32>,
        %swap3A_241 = vector.shape_cast %swap3A_240 : vector<1x16xf32> to vector<16xf32>
        %swap3A_242 = vector.shape_cast %add3A_237 : vector<16xf32> to vector<1x16xf32>
        tpu.vector_store %arg11[%swap3A_238, %swap3A_239], %swap3A_242 {strides = array<i32>} : memref<32x512xf32, #tpu.memory_space<vmem>>, vector<1x16xf32>,
        %get3A_243 = arith.index_cast %scan3A_212 : i32 to index
        %get3A_244 = arith.constant 32 : index
        %get3A_245 = tpu.vector_load %arg9[%get3A_243, %get3A_244] {strides = array<i32>} : memref<32x512xf32, #tpu.memory_space<vmem>>, vector<1x16xf32>,
        %get3A_246 = vector.shape_cast %get3A_245 : vector<1x16xf32> to vector<16xf32>
        %add3A_247 = arith.constant 32 : i32
        %add3A_248 = arith.addi %add3A_247, %scan3A_212 : i32
        %get3A_249 = arith.index_cast %add3A_248 : i32 to index
        %get3A_250 = arith.constant 32 : index
        %get3A_251 = tpu.vector_load %arg6[%get3A_249, %get3A_250] {strides = array<i32>} : memref<64x512xf32, #tpu.memory_space<vmem>>, vector<1x16xf32>,
        %get3A_252 = vector.shape_cast %get3A_251 : vector<1x16xf32> to vector<16xf32>
        %add3A_253 = arith.addf %get3A_246, %get3A_252 : vector<16xf32>
        %swap3A_254 = arith.index_cast %scan3A_212 : i32 to index
        %swap3A_255 = arith.constant 32 : index
        %swap3A_256 = tpu.vector_load %arg11[%swap3A_254, %swap3A_255] {strides = array<i32>} : memref<32x512xf32, #tpu.memory_space<vmem>>, vector<1x16xf32>,
        %swap3A_257 = vector.shape_cast %swap3A_256 : vector<1x16xf32> to vector<16xf32>
        %swap3A_258 = vector.shape_cast %add3A_253 : vector<16xf32> to vector<1x16xf32>
        tpu.vector_store %arg11[%swap3A_254, %swap3A_255], %swap3A_258 {strides = array<i32>} : memref<32x512xf32, #tpu.memory_space<vmem>>, vector<1x16xf32>,
        %get3A_259 = arith.index_cast %scan3A_212 : i32 to index
        %get3A_260 = arith.constant 48 : index
        %get3A_261 = tpu.vector_load %arg9[%get3A_259, %get3A_260] {strides = array<i32>} : memref<32x512xf32, #tpu.memory_space<vmem>>, vector<1x16xf32>,
        %get3A_262 = vector.shape_cast %get3A_261 : vector<1x16xf32> to vector<16xf32>
        %add3A_263 = arith.constant 32 : i32
        %add3A_264 = arith.addi %add3A_263, %scan3A_212 : i32
        %get3A_265 = arith.index_cast %add3A_264 : i32 to index
        %get3A_266 = arith.constant 48 : index
        %get3A_267 = tpu.vector_load %arg6[%get3A_265, %get3A_266] {strides = array<i32>} : memref<64x512xf32, #tpu.memory_space<vmem>>, vector<1x16xf32>,
        %get3A_268 = vector.shape_cast %get3A_267 : vector<1x16xf32> to vector<16xf32>
        %add3A_269 = arith.addf %get3A_262, %get3A_268 : vector<16xf32>
        %swap3A_270 = arith.index_cast %scan3A_212 : i32 to index
        %swap3A_271 = arith.constant 48 : index
        %swap3A_272 = tpu.vector_load %arg11[%swap3A_270, %swap3A_271] {strides = array<i32>} : memref<32x512xf32, #tpu.memory_space<vmem>>, vector<1x16xf32>,
        %swap3A_273 = vector.shape_cast %swap3A_272 : vector<1x16xf32> to vector<16xf32>
        %swap3A_274 = vector.shape_cast %add3A_269 : vector<16xf32> to vector<1x16xf32>
        tpu.vector_store %arg11[%swap3A_270, %swap3A_271], %swap3A_274 {strides = array<i32>} : memref<32x512xf32, #tpu.memory_space<vmem>>, vector<1x16xf32>,
        %get3A_275 = arith.index_cast %scan3A_212 : i32 to index
        %get3A_276 = arith.constant 64 : index
        %get3A_277 = tpu.vector_load %arg9[%get3A_275, %get3A_276] {strides = array<i32>} : memref<32x512xf32, #tpu.memory_space<vmem>>, vector<1x16xf32>,
        %get3A_278 = vector.shape_cast %get3A_277 : vector<1x16xf32> to vector<16xf32>
        %add3A_279 = arith.constant 32 : i32
        %add3A_280 = arith.addi %add3A_279, %scan3A_212 : i32
        %get3A_281 = arith.index_cast %add3A_280 : i32 to index
        %get3A_282 = arith.constant 64 : index
        %get3A_283 = tpu.vector_load %arg6[%get3A_281, %get3A_282] {strides = array<i32>} : memref<64x512xf32, #tpu.memory_space<vmem>>, vector<1x16xf32>,
        %get3A_284 = vector.shape_cast %get3A_283 : vector<1x16xf32> to vector<16xf32>
        %add3A_285 = arith.addf %get3A_278, %get3A_284 : vector<16xf32>
        %swap3A_286 = arith.index_cast %scan3A_212 : i32 to index
        %swap3A_287 = arith.constant 64 : index
        %swap3A_288 = tpu.vector_load %arg11[%swap3A_286, %swap3A_287] {strides = array<i32>} : memref<32x512xf32, #tpu.memory_space<vmem>>, vector<1x16xf32>,
        %swap3A_289 = vector.shape_cast %swap3A_288 : vector<1x16xf32> to vector<16xf32>
        %swap3A_290 = vector.shape_cast %add3A_285 : vector<16xf32> to vector<1x16xf32>
        tpu.vector_store %arg11[%swap3A_286, %swap3A_287], %swap3A_290 {strides = array<i32>} : memref<32x512xf32, #tpu.memory_space<vmem>>, vector<1x16xf32>,
        %get3A_291 = arith.index_cast %scan3A_212 : i32 to index
        %get3A_292 = arith.constant 80 : index
        %get3A_293 = tpu.vector_load %arg9[%get3A_291, %get3A_292] {strides = array<i32>} : memref<32x512xf32, #tpu.memory_space<vmem>>, vector<1x16xf32>,
        %get3A_294 = vector.shape_cast %get3A_293 : vector<1x16xf32> to vector<16xf32>
        %add3A_295 = arith.constant 32 : i32
        %add3A_296 = arith.addi %add3A_295, %scan3A_212 : i32
        %get3A_297 = arith.index_cast %add3A_296 : i32 to index
        %get3A_298 = arith.constant 80 : index
        %get3A_299 = tpu.vector_load %arg6[%get3A_297, %get3A_298] {strides = array<i32>} : memref<64x512xf32, #tpu.memory_space<vmem>>, vector<1x16xf32>,
        %get3A_300 = vector.shape_cast %get3A_299 : vector<1x16xf32> to vector<16xf32>
        %add3A_301 = arith.addf %get3A_294, %get3A_300 : vector<16xf32>
        %swap3A_302 = arith.index_cast %scan3A_212 : i32 to index
        %swap3A_303 = arith.constant 80 : index
        %swap3A_304 = tpu.vector_load %arg11[%swap3A_302, %swap3A_303] {strides = array<i32>} : memref<32x512xf32, #tpu.memory_space<vmem>>, vector<1x16xf32>,
        %swap3A_305 = vector.shape_cast %swap3A_304 : vector<1x16xf32> to vector<16xf32>
        %swap3A_306 = vector.shape_cast %add3A_301 : vector<16xf32> to vector<1x16xf32>
        tpu.vector_store %arg11[%swap3A_302, %swap3A_303], %swap3A_306 {strides = array<i32>} : memref<32x512xf32, #tpu.memory_space<vmem>>, vector<1x16xf32>,
        %get3A_307 = arith.index_cast %scan3A_212 : i32 to index
        %get3A_308 = arith.constant 96 : index
        %get3A_309 = tpu.vector_load %arg9[%get3A_307, %get3A_308] {strides = array<i32>} : memref<32x512xf32, #tpu.memory_space<vmem>>, vector<1x16xf32>,
        %get3A_310 = vector.shape_cast %get3A_309 : vector<1x16xf32> to vector<16xf32>
        %add3A_311 = arith.constant 32 : i32
        %add3A_312 = arith.addi %add3A_311, %scan3A_212 : i32
        %get3A_313 = arith.index_cast %add3A_312 : i32 to index
        %get3A_314 = arith.constant 96 : index
        %get3A_315 = tpu.vector_load %arg6[%get3A_313, %get3A_314] {strides = array<i32>} : memref<64x512xf32, #tpu.memory_space<vmem>>, vector<1x16xf32>,
        %get3A_316 = vector.shape_cast %get3A_315 : vector<1x16xf32> to vector<16xf32>
        %add3A_317 = arith.addf %get3A_310, %get3A_316 : vector<16xf32>
        %swap3A_318 = arith.index_cast %scan3A_212 : i32 to index
        %swap3A_319 = arith.constant 96 : index
        %swap3A_320 = tpu.vector_load %arg11[%swap3A_318, %swap3A_319] {strides = array<i32>} : memref<32x512xf32, #tpu.memory_space<vmem>>, vector<1x16xf32>,
        %swap3A_321 = vector.shape_cast %swap3A_320 : vector<1x16xf32> to vector<16xf32>
        %swap3A_322 = vector.shape_cast %add3A_317 : vector<16xf32> to vector<1x16xf32>
        tpu.vector_store %arg11[%swap3A_318, %swap3A_319], %swap3A_322 {strides = array<i32>} : memref<32x512xf32, #tpu.memory_space<vmem>>, vector<1x16xf32>,
        %get3A_323 = arith.index_cast %scan3A_212 : i32 to index
        %get3A_324 = arith.constant 112 : index
        %get3A_325 = tpu.vector_load %arg9[%get3A_323, %get3A_324] {strides = array<i32>} : memref<32x512xf32, #tpu.memory_space<vmem>>, vector<1x16xf32>,
        %get3A_326 = vector.shape_cast %get3A_325 : vector<1x16xf32> to vector<16xf32>
        %add3A_327 = arith.constant 32 : i32
        %add3A_328 = arith.addi %add3A_327, %scan3A_212 : i32
        %get3A_329 = arith.index_cast %add3A_328 : i32 to index
        %get3A_330 = arith.constant 112 : index
        %get3A_331 = tpu.vector_load %arg6[%get3A_329, %get3A_330] {strides = array<i32>} : memref<64x512xf32, #tpu.memory_space<vmem>>, vector<1x16xf32>,
        %get3A_332 = vector.shape_cast %get3A_331 : vector<1x16xf32> to vector<16xf32>
        %add3A_333 = arith.addf %get3A_326, %get3A_332 : vector<16xf32>
        %swap3A_334 = arith.index_cast %scan3A_212 : i32 to index
        %swap3A_335 = arith.constant 112 : index
        %swap3A_336 = tpu.vector_load %arg11[%swap3A_334, %swap3A_335] {strides = array<i32>} : memref<32x512xf32, #tpu.memory_space<vmem>>, vector<1x16xf32>,
        %swap3A_337 = vector.shape_cast %swap3A_336 : vector<1x16xf32> to vector<16xf32>
        %swap3A_338 = vector.shape_cast %add3A_333 : vector<16xf32> to vector<1x16xf32>
        tpu.vector_store %arg11[%swap3A_334, %swap3A_335], %swap3A_338 {strides = array<i32>} : memref<32x512xf32, #tpu.memory_space<vmem>>, vector<1x16xf32>,
        %get3A_339 = arith.index_cast %scan3A_212 : i32 to index
        %get3A_340 = arith.constant 128 : index
        %get3A_341 = tpu.vector_load %arg9[%get3A_339, %get3A_340] {strides = array<i32>} : memref<32x512xf32, #tpu.memory_space<vmem>>, vector<1x16xf32>,
        %get3A_342 = vector.shape_cast %get3A_341 : vector<1x16xf32> to vector<16xf32>
        %add3A_343 = arith.constant 32 : i32
        %add3A_344 = arith.addi %add3A_343, %scan3A_212 : i32
        %get3A_345 = arith.index_cast %add3A_344 : i32 to index
        %get3A_346 = arith.constant 128 : index
        %get3A_347 = tpu.vector_load %arg6[%get3A_345, %get3A_346] {strides = array<i32>} : memref<64x512xf32, #tpu.memory_space<vmem>>, vector<1x16xf32>,
        %get3A_348 = vector.shape_cast %get3A_347 : vector<1x16xf32> to vector<16xf32>
        %add3A_349 = arith.addf %get3A_342, %get3A_348 : vector<16xf32>
        %swap3A_350 = arith.index_cast %scan3A_212 : i32 to index
        %swap3A_351 = arith.constant 128 : index
        %swap3A_352 = tpu.vector_load %arg11[%swap3A_350, %swap3A_351] {strides = array<i32>} : memref<32x512xf32, #tpu.memory_space<vmem>>, vector<1x16xf32>,
        %swap3A_353 = vector.shape_cast %swap3A_352 : vector<1x16xf32> to vector<16xf32>
        %swap3A_354 = vector.shape_cast %add3A_349 : vector<16xf32> to vector<1x16xf32>
        tpu.vector_store %arg11[%swap3A_350, %swap3A_351], %swap3A_354 {strides = array<i32>} : memref<32x512xf32, #tpu.memory_space<vmem>>, vector<1x16xf32>,
        %get3A_355 = arith.index_cast %scan3A_212 : i32 to index
        %get3A_356 = arith.constant 144 : index
        %get3A_357 = tpu.vector_load %arg9[%get3A_355, %get3A_356] {strides = array<i32>} : memref<32x512xf32, #tpu.memory_space<vmem>>, vector<1x16xf32>,
        %get3A_358 = vector.shape_cast %get3A_357 : vector<1x16xf32> to vector<16xf32>
        %add3A_359 = arith.constant 32 : i32
        %add3A_360 = arith.addi %add3A_359, %scan3A_212 : i32
        %get3A_361 = arith.index_cast %add3A_360 : i32 to index
        %get3A_362 = arith.constant 144 : index
        %get3A_363 = tpu.vector_load %arg6[%get3A_361, %get3A_362] {strides = array<i32>} : memref<64x512xf32, #tpu.memory_space<vmem>>, vector<1x16xf32>,
        %get3A_364 = vector.shape_cast %get3A_363 : vector<1x16xf32> to vector<16xf32>
        %add3A_365 = arith.addf %get3A_358, %get3A_364 : vector<16xf32>
        %swap3A_366 = arith.index_cast %scan3A_212 : i32 to index
        %swap3A_367 = arith.constant 144 : index
        %swap3A_368 = tpu.vector_load %arg11[%swap3A_366, %swap3A_367] {strides = array<i32>} : memref<32x512xf32, #tpu.memory_space<vmem>>, vector<1x16xf32>,
        %swap3A_369 = vector.shape_cast %swap3A_368 : vector<1x16xf32> to vector<16xf32>
        %swap3A_370 = vector.shape_cast %add3A_365 : vector<16xf32> to vector<1x16xf32>
        tpu.vector_store %arg11[%swap3A_366, %swap3A_367], %swap3A_370 {strides = array<i32>} : memref<32x512xf32, #tpu.memory_space<vmem>>, vector<1x16xf32>,
        %get3A_371 = arith.index_cast %scan3A_212 : i32 to index
        %get3A_372 = arith.constant 160 : index
        %get3A_373 = tpu.vector_load %arg9[%get3A_371, %get3A_372] {strides = array<i32>} : memref<32x512xf32, #tpu.memory_space<vmem>>, vector<1x16xf32>,
        %get3A_374 = vector.shape_cast %get3A_373 : vector<1x16xf32> to vector<16xf32>
        %add3A_375 = arith.constant 32 : i32
        %add3A_376 = arith.addi %add3A_375, %scan3A_212 : i32
        %get3A_377 = arith.index_cast %add3A_376 : i32 to index
        %get3A_378 = arith.constant 160 : index
        %get3A_379 = tpu.vector_load %arg6[%get3A_377, %get3A_378] {strides = array<i32>} : memref<64x512xf32, #tpu.memory_space<vmem>>, vector<1x16xf32>,
        %get3A_380 = vector.shape_cast %get3A_379 : vector<1x16xf32> to vector<16xf32>
        %add3A_381 = arith.addf %get3A_374, %get3A_380 : vector<16xf32>
        %swap3A_382 = arith.index_cast %scan3A_212 : i32 to index
        %swap3A_383 = arith.constant 160 : index
        %swap3A_384 = tpu.vector_load %arg11[%swap3A_382, %swap3A_383] {strides = array<i32>} : memref<32x512xf32, #tpu.memory_space<vmem>>, vector<1x16xf32>,
        %swap3A_385 = vector.shape_cast %swap3A_384 : vector<1x16xf32> to vector<16xf32>
        %swap3A_386 = vector.shape_cast %add3A_381 : vector<16xf32> to vector<1x16xf32>
        tpu.vector_store %arg11[%swap3A_382, %swap3A_383], %swap3A_386 {strides = array<i32>} : memref<32x512xf32, #tpu.memory_space<vmem>>, vector<1x16xf32>,
        %get3A_387 = arith.index_cast %scan3A_212 : i32 to index
        %get3A_388 = arith.constant 176 : index
        %get3A_389 = tpu.vector_load %arg9[%get3A_387, %get3A_388] {strides = array<i32>} : memref<32x512xf32, #tpu.memory_space<vmem>>, vector<1x16xf32>,
        %get3A_390 = vector.shape_cast %get3A_389 : vector<1x16xf32> to vector<16xf32>
        %add3A_391 = arith.constant 32 : i32
        %add3A_392 = arith.addi %add3A_391, %scan3A_212 : i32
        %get3A_393 = arith.index_cast %add3A_392 : i32 to index
        %get3A_394 = arith.constant 176 : index
        %get3A_395 = tpu.vector_load %arg6[%get3A_393, %get3A_394] {strides = array<i32>} : memref<64x512xf32, #tpu.memory_space<vmem>>, vector<1x16xf32>,
        %get3A_396 = vector.shape_cast %get3A_395 : vector<1x16xf32> to vector<16xf32>
        %add3A_397 = arith.addf %get3A_390, %get3A_396 : vector<16xf32>
        %swap3A_398 = arith.index_cast %scan3A_212 : i32 to index
        %swap3A_399 = arith.constant 176 : index
        %swap3A_400 = tpu.vector_load %arg11[%swap3A_398, %swap3A_399] {strides = array<i32>} : memref<32x512xf32, #tpu.memory_space<vmem>>, vector<1x16xf32>,
        %swap3A_401 = vector.shape_cast %swap3A_400 : vector<1x16xf32> to vector<16xf32>
        %swap3A_402 = vector.shape_cast %add3A_397 : vector<16xf32> to vector<1x16xf32>
        tpu.vector_store %arg11[%swap3A_398, %swap3A_399], %swap3A_402 {strides = array<i32>} : memref<32x512xf32, #tpu.memory_space<vmem>>, vector<1x16xf32>,
        %get3A_403 = arith.index_cast %scan3A_212 : i32 to index
        %get3A_404 = arith.constant 192 : index
        %get3A_405 = tpu.vector_load %arg9[%get3A_403, %get3A_404] {strides = array<i32>} : memref<32x512xf32, #tpu.memory_space<vmem>>, vector<1x16xf32>,
        %get3A_406 = vector.shape_cast %get3A_405 : vector<1x16xf32> to vector<16xf32>
        %add3A_407 = arith.constant 32 : i32
        %add3A_408 = arith.addi %add3A_407, %scan3A_212 : i32
        %get3A_409 = arith.index_cast %add3A_408 : i32 to index
        %get3A_410 = arith.constant 192 : index
        %get3A_411 = tpu.vector_load %arg6[%get3A_409, %get3A_410] {strides = array<i32>} : memref<64x512xf32, #tpu.memory_space<vmem>>, vector<1x16xf32>,
        %get3A_412 = vector.shape_cast %get3A_411 : vector<1x16xf32> to vector<16xf32>
        %add3A_413 = arith.addf %get3A_406, %get3A_412 : vector<16xf32>
        %swap3A_414 = arith.index_cast %scan3A_212 : i32 to index
        %swap3A_415 = arith.constant 192 : index
        %swap3A_416 = tpu.vector_load %arg11[%swap3A_414, %swap3A_415] {strides = array<i32>} : memref<32x512xf32, #tpu.memory_space<vmem>>, vector<1x16xf32>,
        %swap3A_417 = vector.shape_cast %swap3A_416 : vector<1x16xf32> to vector<16xf32>
        %swap3A_418 = vector.shape_cast %add3A_413 : vector<16xf32> to vector<1x16xf32>
        tpu.vector_store %arg11[%swap3A_414, %swap3A_415], %swap3A_418 {strides = array<i32>} : memref<32x512xf32, #tpu.memory_space<vmem>>, vector<1x16xf32>,
        %get3A_419 = arith.index_cast %scan3A_212 : i32 to index
        %get3A_420 = arith.constant 208 : index
        %get3A_421 = tpu.vector_load %arg9[%get3A_419, %get3A_420] {strides = array<i32>} : memref<32x512xf32, #tpu.memory_space<vmem>>, vector<1x16xf32>,
        %get3A_422 = vector.shape_cast %get3A_421 : vector<1x16xf32> to vector<16xf32>
        %add3A_423 = arith.constant 32 : i32
        %add3A_424 = arith.addi %add3A_423, %scan3A_212 : i32
        %get3A_425 = arith.index_cast %add3A_424 : i32 to index
        %get3A_426 = arith.constant 208 : index
        %get3A_427 = tpu.vector_load %arg6[%get3A_425, %get3A_426] {strides = array<i32>} : memref<64x512xf32, #tpu.memory_space<vmem>>, vector<1x16xf32>,
        %get3A_428 = vector.shape_cast %get3A_427 : vector<1x16xf32> to vector<16xf32>
        %add3A_429 = arith.addf %get3A_422, %get3A_428 : vector<16xf32>
        %swap3A_430 = arith.index_cast %scan3A_212 : i32 to index
        %swap3A_431 = arith.constant 208 : index
        %swap3A_432 = tpu.vector_load %arg11[%swap3A_430, %swap3A_431] {strides = array<i32>} : memref<32x512xf32, #tpu.memory_space<vmem>>, vector<1x16xf32>,
        %swap3A_433 = vector.shape_cast %swap3A_432 : vector<1x16xf32> to vector<16xf32>
        %swap3A_434 = vector.shape_cast %add3A_429 : vector<16xf32> to vector<1x16xf32>
        tpu.vector_store %arg11[%swap3A_430, %swap3A_431], %swap3A_434 {strides = array<i32>} : memref<32x512xf32, #tpu.memory_space<vmem>>, vector<1x16xf32>,
        %get3A_435 = arith.index_cast %scan3A_212 : i32 to index
        %get3A_436 = arith.constant 224 : index
        %get3A_437 = tpu.vector_load %arg9[%get3A_435, %get3A_436] {strides = array<i32>} : memref<32x512xf32, #tpu.memory_space<vmem>>, vector<1x16xf32>,
        %get3A_438 = vector.shape_cast %get3A_437 : vector<1x16xf32> to vector<16xf32>
        %add3A_439 = arith.constant 32 : i32
        %add3A_440 = arith.addi %add3A_439, %scan3A_212 : i32
        %get3A_441 = arith.index_cast %add3A_440 : i32 to index
        %get3A_442 = arith.constant 224 : index
        %get3A_443 = tpu.vector_load %arg6[%get3A_441, %get3A_442] {strides = array<i32>} : memref<64x512xf32, #tpu.memory_space<vmem>>, vector<1x16xf32>,
        %get3A_444 = vector.shape_cast %get3A_443 : vector<1x16xf32> to vector<16xf32>
        %add3A_445 = arith.addf %get3A_438, %get3A_444 : vector<16xf32>
        %swap3A_446 = arith.index_cast %scan3A_212 : i32 to index
        %swap3A_447 = arith.constant 224 : index
        %swap3A_448 = tpu.vector_load %arg11[%swap3A_446, %swap3A_447] {strides = array<i32>} : memref<32x512xf32, #tpu.memory_space<vmem>>, vector<1x16xf32>,
        %swap3A_449 = vector.shape_cast %swap3A_448 : vector<1x16xf32> to vector<16xf32>
        %swap3A_450 = vector.shape_cast %add3A_445 : vector<16xf32> to vector<1x16xf32>
        tpu.vector_store %arg11[%swap3A_446, %swap3A_447], %swap3A_450 {strides = array<i32>} : memref<32x512xf32, #tpu.memory_space<vmem>>, vector<1x16xf32>,
        %get3A_451 = arith.index_cast %scan3A_212 : i32 to index
        %get3A_452 = arith.constant 240 : index
        %get3A_453 = tpu.vector_load %arg9[%get3A_451, %get3A_452] {strides = array<i32>} : memref<32x512xf32, #tpu.memory_space<vmem>>, vector<1x16xf32>,
        %get3A_454 = vector.shape_cast %get3A_453 : vector<1x16xf32> to vector<16xf32>
        %add3A_455 = arith.constant 32 : i32
        %add3A_456 = arith.addi %add3A_455, %scan3A_212 : i32
        %get3A_457 = arith.index_cast %add3A_456 : i32 to index
        %get3A_458 = arith.constant 240 : index
        %get3A_459 = tpu.vector_load %arg6[%get3A_457, %get3A_458] {strides = array<i32>} : memref<64x512xf32, #tpu.memory_space<vmem>>, vector<1x16xf32>,
        %get3A_460 = vector.shape_cast %get3A_459 : vector<1x16xf32> to vector<16xf32>
        %add3A_461 = arith.addf %get3A_454, %get3A_460 : vector<16xf32>
        %swap3A_462 = arith.index_cast %scan3A_212 : i32 to index
        %swap3A_463 = arith.constant 240 : index
        %swap3A_464 = tpu.vector_load %arg11[%swap3A_462, %swap3A_463] {strides = array<i32>} : memref<32x512xf32, #tpu.memory_space<vmem>>, vector<1x16xf32>,
        %swap3A_465 = vector.shape_cast %swap3A_464 : vector<1x16xf32> to vector<16xf32>
        %swap3A_466 = vector.shape_cast %add3A_461 : vector<16xf32> to vector<1x16xf32>
        tpu.vector_store %arg11[%swap3A_462, %swap3A_463], %swap3A_466 {strides = array<i32>} : memref<32x512xf32, #tpu.memory_space<vmem>>, vector<1x16xf32>,
        %get3A_467 = arith.index_cast %scan3A_212 : i32 to index
        %get3A_468 = arith.constant 256 : index
        %get3A_469 = tpu.vector_load %arg9[%get3A_467, %get3A_468] {strides = array<i32>} : memref<32x512xf32, #tpu.memory_space<vmem>>, vector<1x16xf32>,
        %get3A_470 = vector.shape_cast %get3A_469 : vector<1x16xf32> to vector<16xf32>
        %add3A_471 = arith.constant 32 : i32
        %add3A_472 = arith.addi %add3A_471, %scan3A_212 : i32
        %get3A_473 = arith.index_cast %add3A_472 : i32 to index
        %get3A_474 = arith.constant 256 : index
        %get3A_475 = tpu.vector_load %arg6[%get3A_473, %get3A_474] {strides = array<i32>} : memref<64x512xf32, #tpu.memory_space<vmem>>, vector<1x16xf32>,
        %get3A_476 = vector.shape_cast %get3A_475 : vector<1x16xf32> to vector<16xf32>
        %add3A_477 = arith.addf %get3A_470, %get3A_476 : vector<16xf32>
        %swap3A_478 = arith.index_cast %scan3A_212 : i32 to index
        %swap3A_479 = arith.constant 256 : index
        %swap3A_480 = tpu.vector_load %arg11[%swap3A_478, %swap3A_479] {strides = array<i32>} : memref<32x512xf32, #tpu.memory_space<vmem>>, vector<1x16xf32>,
        %swap3A_481 = vector.shape_cast %swap3A_480 : vector<1x16xf32> to vector<16xf32>
        %swap3A_482 = vector.shape_cast %add3A_477 : vector<16xf32> to vector<1x16xf32>
        tpu.vector_store %arg11[%swap3A_478, %swap3A_479], %swap3A_482 {strides = array<i32>} : memref<32x512xf32, #tpu.memory_space<vmem>>, vector<1x16xf32>,
        %get3A_483 = arith.index_cast %scan3A_212 : i32 to index
        %get3A_484 = arith.constant 272 : index
        %get3A_485 = tpu.vector_load %arg9[%get3A_483, %get3A_484] {strides = array<i32>} : memref<32x512xf32, #tpu.memory_space<vmem>>, vector<1x16xf32>,
        %get3A_486 = vector.shape_cast %get3A_485 : vector<1x16xf32> to vector<16xf32>
        %add3A_487 = arith.constant 32 : i32
        %add3A_488 = arith.addi %add3A_487, %scan3A_212 : i32
        %get3A_489 = arith.index_cast %add3A_488 : i32 to index
        %get3A_490 = arith.constant 272 : index
        %get3A_491 = tpu.vector_load %arg6[%get3A_489, %get3A_490] {strides = array<i32>} : memref<64x512xf32, #tpu.memory_space<vmem>>, vector<1x16xf32>,
        %get3A_492 = vector.shape_cast %get3A_491 : vector<1x16xf32> to vector<16xf32>
        %add3A_493 = arith.addf %get3A_486, %get3A_492 : vector<16xf32>
        %swap3A_494 = arith.index_cast %scan3A_212 : i32 to index
        %swap3A_495 = arith.constant 272 : index
        %swap3A_496 = tpu.vector_load %arg11[%swap3A_494, %swap3A_495] {strides = array<i32>} : memref<32x512xf32, #tpu.memory_space<vmem>>, vector<1x16xf32>,
        %swap3A_497 = vector.shape_cast %swap3A_496 : vector<1x16xf32> to vector<16xf32>
        %swap3A_498 = vector.shape_cast %add3A_493 : vector<16xf32> to vector<1x16xf32>
        tpu.vector_store %arg11[%swap3A_494, %swap3A_495], %swap3A_498 {strides = array<i32>} : memref<32x512xf32, #tpu.memory_space<vmem>>, vector<1x16xf32>,
        %get3A_499 = arith.index_cast %scan3A_212 : i32 to index
        %get3A_500 = arith.constant 288 : index
        %get3A_501 = tpu.vector_load %arg9[%get3A_499, %get3A_500] {strides = array<i32>} : memref<32x512xf32, #tpu.memory_space<vmem>>, vector<1x16xf32>,
        %get3A_502 = vector.shape_cast %get3A_501 : vector<1x16xf32> to vector<16xf32>
        %add3A_503 = arith.constant 32 : i32
        %add3A_504 = arith.addi %add3A_503, %scan3A_212 : i32
        %get3A_505 = arith.index_cast %add3A_504 : i32 to index
        %get3A_506 = arith.constant 288 : index
        %get3A_507 = tpu.vector_load %arg6[%get3A_505, %get3A_506] {strides = array<i32>} : memref<64x512xf32, #tpu.memory_space<vmem>>, vector<1x16xf32>,
        %get3A_508 = vector.shape_cast %get3A_507 : vector<1x16xf32> to vector<16xf32>
        %add3A_509 = arith.addf %get3A_502, %get3A_508 : vector<16xf32>
        %swap3A_510 = arith.index_cast %scan3A_212 : i32 to index
        %swap3A_511 = arith.constant 288 : index
        %swap3A_512 = tpu.vector_load %arg11[%swap3A_510, %swap3A_511] {strides = array<i32>} : memref<32x512xf32, #tpu.memory_space<vmem>>, vector<1x16xf32>,
        %swap3A_513 = vector.shape_cast %swap3A_512 : vector<1x16xf32> to vector<16xf32>
        %swap3A_514 = vector.shape_cast %add3A_509 : vector<16xf32> to vector<1x16xf32>
        tpu.vector_store %arg11[%swap3A_510, %swap3A_511], %swap3A_514 {strides = array<i32>} : memref<32x512xf32, #tpu.memory_space<vmem>>, vector<1x16xf32>,
        %get3A_515 = arith.index_cast %scan3A_212 : i32 to index
        %get3A_516 = arith.constant 304 : index
        %get3A_517 = tpu.vector_load %arg9[%get3A_515, %get3A_516] {strides = array<i32>} : memref<32x512xf32, #tpu.memory_space<vmem>>, vector<1x16xf32>,
        %get3A_518 = vector.shape_cast %get3A_517 : vector<1x16xf32> to vector<16xf32>
        %add3A_519 = arith.constant 32 : i32
        %add3A_520 = arith.addi %add3A_519, %scan3A_212 : i32
        %get3A_521 = arith.index_cast %add3A_520 : i32 to index
        %get3A_522 = arith.constant 304 : index
        %get3A_523 = tpu.vector_load %arg6[%get3A_521, %get3A_522] {strides = array<i32>} : memref<64x512xf32, #tpu.memory_space<vmem>>, vector<1x16xf32>,
        %get3A_524 = vector.shape_cast %get3A_523 : vector<1x16xf32> to vector<16xf32>
        %add3A_525 = arith.addf %get3A_518, %get3A_524 : vector<16xf32>
        %swap3A_526 = arith.index_cast %scan3A_212 : i32 to index
        %swap3A_527 = arith.constant 304 : index
        %swap3A_528 = tpu.vector_load %arg11[%swap3A_526, %swap3A_527] {strides = array<i32>} : memref<32x512xf32, #tpu.memory_space<vmem>>, vector<1x16xf32>,
        %swap3A_529 = vector.shape_cast %swap3A_528 : vector<1x16xf32> to vector<16xf32>
        %swap3A_530 = vector.shape_cast %add3A_525 : vector<16xf32> to vector<1x16xf32>
        tpu.vector_store %arg11[%swap3A_526, %swap3A_527], %swap3A_530 {strides = array<i32>} : memref<32x512xf32, #tpu.memory_space<vmem>>, vector<1x16xf32>,
        %get3A_531 = arith.index_cast %scan3A_212 : i32 to index
        %get3A_532 = arith.constant 320 : index
        %get3A_533 = tpu.vector_load %arg9[%get3A_531, %get3A_532] {strides = array<i32>} : memref<32x512xf32, #tpu.memory_space<vmem>>, vector<1x16xf32>,
        %get3A_534 = vector.shape_cast %get3A_533 : vector<1x16xf32> to vector<16xf32>
        %add3A_535 = arith.constant 32 : i32
        %add3A_536 = arith.addi %add3A_535, %scan3A_212 : i32
        %get3A_537 = arith.index_cast %add3A_536 : i32 to index
        %get3A_538 = arith.constant 320 : index
        %get3A_539 = tpu.vector_load %arg6[%get3A_537, %get3A_538] {strides = array<i32>} : memref<64x512xf32, #tpu.memory_space<vmem>>, vector<1x16xf32>,
        %get3A_540 = vector.shape_cast %get3A_539 : vector<1x16xf32> to vector<16xf32>
        %add3A_541 = arith.addf %get3A_534, %get3A_540 : vector<16xf32>
        %swap3A_542 = arith.index_cast %scan3A_212 : i32 to index
        %swap3A_543 = arith.constant 320 : index
        %swap3A_544 = tpu.vector_load %arg11[%swap3A_542, %swap3A_543] {strides = array<i32>} : memref<32x512xf32, #tpu.memory_space<vmem>>, vector<1x16xf32>,
        %swap3A_545 = vector.shape_cast %swap3A_544 : vector<1x16xf32> to vector<16xf32>
        %swap3A_546 = vector.shape_cast %add3A_541 : vector<16xf32> to vector<1x16xf32>
        tpu.vector_store %arg11[%swap3A_542, %swap3A_543], %swap3A_546 {strides = array<i32>} : memref<32x512xf32, #tpu.memory_space<vmem>>, vector<1x16xf32>,
        %get3A_547 = arith.index_cast %scan3A_212 : i32 to index
        %get3A_548 = arith.constant 336 : index
        %get3A_549 = tpu.vector_load %arg9[%get3A_547, %get3A_548] {strides = array<i32>} : memref<32x512xf32, #tpu.memory_space<vmem>>, vector<1x16xf32>,
        %get3A_550 = vector.shape_cast %get3A_549 : vector<1x16xf32> to vector<16xf32>
        %add3A_551 = arith.constant 32 : i32
        %add3A_552 = arith.addi %add3A_551, %scan3A_212 : i32
        %get3A_553 = arith.index_cast %add3A_552 : i32 to index
        %get3A_554 = arith.constant 336 : index
        %get3A_555 = tpu.vector_load %arg6[%get3A_553, %get3A_554] {strides = array<i32>} : memref<64x512xf32, #tpu.memory_space<vmem>>, vector<1x16xf32>,
        %get3A_556 = vector.shape_cast %get3A_555 : vector<1x16xf32> to vector<16xf32>
        %add3A_557 = arith.addf %get3A_550, %get3A_556 : vector<16xf32>
        %swap3A_558 = arith.index_cast %scan3A_212 : i32 to index
        %swap3A_559 = arith.constant 336 : index
        %swap3A_560 = tpu.vector_load %arg11[%swap3A_558, %swap3A_559] {strides = array<i32>} : memref<32x512xf32, #tpu.memory_space<vmem>>, vector<1x16xf32>,
        %swap3A_561 = vector.shape_cast %swap3A_560 : vector<1x16xf32> to vector<16xf32>
        %swap3A_562 = vector.shape_cast %add3A_557 : vector<16xf32> to vector<1x16xf32>
        tpu.vector_store %arg11[%swap3A_558, %swap3A_559], %swap3A_562 {strides = array<i32>} : memref<32x512xf32, #tpu.memory_space<vmem>>, vector<1x16xf32>,
        %get3A_563 = arith.index_cast %scan3A_212 : i32 to index
        %get3A_564 = arith.constant 352 : index
        %get3A_565 = tpu.vector_load %arg9[%get3A_563, %get3A_564] {strides = array<i32>} : memref<32x512xf32, #tpu.memory_space<vmem>>, vector<1x16xf32>,
        %get3A_566 = vector.shape_cast %get3A_565 : vector<1x16xf32> to vector<16xf32>
        %add3A_567 = arith.constant 32 : i32
        %add3A_568 = arith.addi %add3A_567, %scan3A_212 : i32
        %get3A_569 = arith.index_cast %add3A_568 : i32 to index
        %get3A_570 = arith.constant 352 : index
        %get3A_571 = tpu.vector_load %arg6[%get3A_569, %get3A_570] {strides = array<i32>} : memref<64x512xf32, #tpu.memory_space<vmem>>, vector<1x16xf32>,
        %get3A_572 = vector.shape_cast %get3A_571 : vector<1x16xf32> to vector<16xf32>
        %add3A_573 = arith.addf %get3A_566, %get3A_572 : vector<16xf32>
        %swap3A_574 = arith.index_cast %scan3A_212 : i32 to index
        %swap3A_575 = arith.constant 352 : index
        %swap3A_576 = tpu.vector_load %arg11[%swap3A_574, %swap3A_575] {strides = array<i32>} : memref<32x512xf32, #tpu.memory_space<vmem>>, vector<1x16xf32>,
        %swap3A_577 = vector.shape_cast %swap3A_576 : vector<1x16xf32> to vector<16xf32>
        %swap3A_578 = vector.shape_cast %add3A_573 : vector<16xf32> to vector<1x16xf32>
        tpu.vector_store %arg11[%swap3A_574, %swap3A_575], %swap3A_578 {strides = array<i32>} : memref<32x512xf32, #tpu.memory_space<vmem>>, vector<1x16xf32>,
        %get3A_579 = arith.index_cast %scan3A_212 : i32 to index
        %get3A_580 = arith.constant 368 : index
        %get3A_581 = tpu.vector_load %arg9[%get3A_579, %get3A_580] {strides = array<i32>} : memref<32x512xf32, #tpu.memory_space<vmem>>, vector<1x16xf32>,
        %get3A_582 = vector.shape_cast %get3A_581 : vector<1x16xf32> to vector<16xf32>
        %add3A_583 = arith.constant 32 : i32
        %add3A_584 = arith.addi %add3A_583, %scan3A_212 : i32
        %get3A_585 = arith.index_cast %add3A_584 : i32 to index
        %get3A_586 = arith.constant 368 : index
        %get3A_587 = tpu.vector_load %arg6[%get3A_585, %get3A_586] {strides = array<i32>} : memref<64x512xf32, #tpu.memory_space<vmem>>, vector<1x16xf32>,
        %get3A_588 = vector.shape_cast %get3A_587 : vector<1x16xf32> to vector<16xf32>
        %add3A_589 = arith.addf %get3A_582, %get3A_588 : vector<16xf32>
        %swap3A_590 = arith.index_cast %scan3A_212 : i32 to index
        %swap3A_591 = arith.constant 368 : index
        %swap3A_592 = tpu.vector_load %arg11[%swap3A_590, %swap3A_591] {strides = array<i32>} : memref<32x512xf32, #tpu.memory_space<vmem>>, vector<1x16xf32>,
        %swap3A_593 = vector.shape_cast %swap3A_592 : vector<1x16xf32> to vector<16xf32>
        %swap3A_594 = vector.shape_cast %add3A_589 : vector<16xf32> to vector<1x16xf32>
        tpu.vector_store %arg11[%swap3A_590, %swap3A_591], %swap3A_594 {strides = array<i32>} : memref<32x512xf32, #tpu.memory_space<vmem>>, vector<1x16xf32>,
        %get3A_595 = arith.index_cast %scan3A_212 : i32 to index
        %get3A_596 = arith.constant 384 : index
        %get3A_597 = tpu.vector_load %arg9[%get3A_595, %get3A_596] {strides = array<i32>} : memref<32x512xf32, #tpu.memory_space<vmem>>, vector<1x16xf32>,
        %get3A_598 = vector.shape_cast %get3A_597 : vector<1x16xf32> to vector<16xf32>
        %add3A_599 = arith.constant 32 : i32
        %add3A_600 = arith.addi %add3A_599, %scan3A_212 : i32
        %get3A_601 = arith.index_cast %add3A_600 : i32 to index
        %get3A_602 = arith.constant 384 : index
        %get3A_603 = tpu.vector_load %arg6[%get3A_601, %get3A_602] {strides = array<i32>} : memref<64x512xf32, #tpu.memory_space<vmem>>, vector<1x16xf32>,
        %get3A_604 = vector.shape_cast %get3A_603 : vector<1x16xf32> to vector<16xf32>
        %add3A_605 = arith.addf %get3A_598, %get3A_604 : vector<16xf32>
        %swap3A_606 = arith.index_cast %scan3A_212 : i32 to index
        %swap3A_607 = arith.constant 384 : index
        %swap3A_608 = tpu.vector_load %arg11[%swap3A_606, %swap3A_607] {strides = array<i32>} : memref<32x512xf32, #tpu.memory_space<vmem>>, vector<1x16xf32>,
        %swap3A_609 = vector.shape_cast %swap3A_608 : vector<1x16xf32> to vector<16xf32>
        %swap3A_610 = vector.shape_cast %add3A_605 : vector<16xf32> to vector<1x16xf32>
        tpu.vector_store %arg11[%swap3A_606, %swap3A_607], %swap3A_610 {strides = array<i32>} : memref<32x512xf32, #tpu.memory_space<vmem>>, vector<1x16xf32>,
        %get3A_611 = arith.index_cast %scan3A_212 : i32 to index
        %get3A_612 = arith.constant 400 : index
        %get3A_613 = tpu.vector_load %arg9[%get3A_611, %get3A_612] {strides = array<i32>} : memref<32x512xf32, #tpu.memory_space<vmem>>, vector<1x16xf32>,
        %get3A_614 = vector.shape_cast %get3A_613 : vector<1x16xf32> to vector<16xf32>
        %add3A_615 = arith.constant 32 : i32
        %add3A_616 = arith.addi %add3A_615, %scan3A_212 : i32
        %get3A_617 = arith.index_cast %add3A_616 : i32 to index
        %get3A_618 = arith.constant 400 : index
        %get3A_619 = tpu.vector_load %arg6[%get3A_617, %get3A_618] {strides = array<i32>} : memref<64x512xf32, #tpu.memory_space<vmem>>, vector<1x16xf32>,
        %get3A_620 = vector.shape_cast %get3A_619 : vector<1x16xf32> to vector<16xf32>
        %add3A_621 = arith.addf %get3A_614, %get3A_620 : vector<16xf32>
        %swap3A_622 = arith.index_cast %scan3A_212 : i32 to index
        %swap3A_623 = arith.constant 400 : index
        %swap3A_624 = tpu.vector_load %arg11[%swap3A_622, %swap3A_623] {strides = array<i32>} : memref<32x512xf32, #tpu.memory_space<vmem>>, vector<1x16xf32>,
        %swap3A_625 = vector.shape_cast %swap3A_624 : vector<1x16xf32> to vector<16xf32>
        %swap3A_626 = vector.shape_cast %add3A_621 : vector<16xf32> to vector<1x16xf32>
        tpu.vector_store %arg11[%swap3A_622, %swap3A_623], %swap3A_626 {strides = array<i32>} : memref<32x512xf32, #tpu.memory_space<vmem>>, vector<1x16xf32>,
        %get3A_627 = arith.index_cast %scan3A_212 : i32 to index
        %get3A_628 = arith.constant 416 : index
        %get3A_629 = tpu.vector_load %arg9[%get3A_627, %get3A_628] {strides = array<i32>} : memref<32x512xf32, #tpu.memory_space<vmem>>, vector<1x16xf32>,
        %get3A_630 = vector.shape_cast %get3A_629 : vector<1x16xf32> to vector<16xf32>
        %add3A_631 = arith.constant 32 : i32
        %add3A_632 = arith.addi %add3A_631, %scan3A_212 : i32
        %get3A_633 = arith.index_cast %add3A_632 : i32 to index
        %get3A_634 = arith.constant 416 : index
        %get3A_635 = tpu.vector_load %arg6[%get3A_633, %get3A_634] {strides = array<i32>} : memref<64x512xf32, #tpu.memory_space<vmem>>, vector<1x16xf32>,
        %get3A_636 = vector.shape_cast %get3A_635 : vector<1x16xf32> to vector<16xf32>
        %add3A_637 = arith.addf %get3A_630, %get3A_636 : vector<16xf32>
        %swap3A_638 = arith.index_cast %scan3A_212 : i32 to index
        %swap3A_639 = arith.constant 416 : index
        %swap3A_640 = tpu.vector_load %arg11[%swap3A_638, %swap3A_639] {strides = array<i32>} : memref<32x512xf32, #tpu.memory_space<vmem>>, vector<1x16xf32>,
        %swap3A_641 = vector.shape_cast %swap3A_640 : vector<1x16xf32> to vector<16xf32>
        %swap3A_642 = vector.shape_cast %add3A_637 : vector<16xf32> to vector<1x16xf32>
        tpu.vector_store %arg11[%swap3A_638, %swap3A_639], %swap3A_642 {strides = array<i32>} : memref<32x512xf32, #tpu.memory_space<vmem>>, vector<1x16xf32>,
        %get3A_643 = arith.index_cast %scan3A_212 : i32 to index
        %get3A_644 = arith.constant 432 : index
        %get3A_645 = tpu.vector_load %arg9[%get3A_643, %get3A_644] {strides = array<i32>} : memref<32x512xf32, #tpu.memory_space<vmem>>, vector<1x16xf32>,
        %get3A_646 = vector.shape_cast %get3A_645 : vector<1x16xf32> to vector<16xf32>
        %add3A_647 = arith.constant 32 : i32
        %add3A_648 = arith.addi %add3A_647, %scan3A_212 : i32
        %get3A_649 = arith.index_cast %add3A_648 : i32 to index
        %get3A_650 = arith.constant 432 : index
        %get3A_651 = tpu.vector_load %arg6[%get3A_649, %get3A_650] {strides = array<i32>} : memref<64x512xf32, #tpu.memory_space<vmem>>, vector<1x16xf32>,
        %get3A_652 = vector.shape_cast %get3A_651 : vector<1x16xf32> to vector<16xf32>
        %add3A_653 = arith.addf %get3A_646, %get3A_652 : vector<16xf32>
        %swap3A_654 = arith.index_cast %scan3A_212 : i32 to index
        %swap3A_655 = arith.constant 432 : index
        %swap3A_656 = tpu.vector_load %arg11[%swap3A_654, %swap3A_655] {strides = array<i32>} : memref<32x512xf32, #tpu.memory_space<vmem>>, vector<1x16xf32>,
        %swap3A_657 = vector.shape_cast %swap3A_656 : vector<1x16xf32> to vector<16xf32>
        %swap3A_658 = vector.shape_cast %add3A_653 : vector<16xf32> to vector<1x16xf32>
        tpu.vector_store %arg11[%swap3A_654, %swap3A_655], %swap3A_658 {strides = array<i32>} : memref<32x512xf32, #tpu.memory_space<vmem>>, vector<1x16xf32>,
        %get3A_659 = arith.index_cast %scan3A_212 : i32 to index
        %get3A_660 = arith.constant 448 : index
        %get3A_661 = tpu.vector_load %arg9[%get3A_659, %get3A_660] {strides = array<i32>} : memref<32x512xf32, #tpu.memory_space<vmem>>, vector<1x16xf32>,
        %get3A_662 = vector.shape_cast %get3A_661 : vector<1x16xf32> to vector<16xf32>
        %add3A_663 = arith.constant 32 : i32
        %add3A_664 = arith.addi %add3A_663, %scan3A_212 : i32
        %get3A_665 = arith.index_cast %add3A_664 : i32 to index
        %get3A_666 = arith.constant 448 : index
        %get3A_667 = tpu.vector_load %arg6[%get3A_665, %get3A_666] {strides = array<i32>} : memref<64x512xf32, #tpu.memory_space<vmem>>, vector<1x16xf32>,
        %get3A_668 = vector.shape_cast %get3A_667 : vector<1x16xf32> to vector<16xf32>
        %add3A_669 = arith.addf %get3A_662, %get3A_668 : vector<16xf32>
        %swap3A_670 = arith.index_cast %scan3A_212 : i32 to index
        %swap3A_671 = arith.constant 448 : index
        %swap3A_672 = tpu.vector_load %arg11[%swap3A_670, %swap3A_671] {strides = array<i32>} : memref<32x512xf32, #tpu.memory_space<vmem>>, vector<1x16xf32>,
        %swap3A_673 = vector.shape_cast %swap3A_672 : vector<1x16xf32> to vector<16xf32>
        %swap3A_674 = vector.shape_cast %add3A_669 : vector<16xf32> to vector<1x16xf32>
        tpu.vector_store %arg11[%swap3A_670, %swap3A_671], %swap3A_674 {strides = array<i32>} : memref<32x512xf32, #tpu.memory_space<vmem>>, vector<1x16xf32>,
        %get3A_675 = arith.index_cast %scan3A_212 : i32 to index
        %get3A_676 = arith.constant 464 : index
        %get3A_677 = tpu.vector_load %arg9[%get3A_675, %get3A_676] {strides = array<i32>} : memref<32x512xf32, #tpu.memory_space<vmem>>, vector<1x16xf32>,
        %get3A_678 = vector.shape_cast %get3A_677 : vector<1x16xf32> to vector<16xf32>
        %add3A_679 = arith.constant 32 : i32
        %add3A_680 = arith.addi %add3A_679, %scan3A_212 : i32
        %get3A_681 = arith.index_cast %add3A_680 : i32 to index
        %get3A_682 = arith.constant 464 : index
        %get3A_683 = tpu.vector_load %arg6[%get3A_681, %get3A_682] {strides = array<i32>} : memref<64x512xf32, #tpu.memory_space<vmem>>, vector<1x16xf32>,
        %get3A_684 = vector.shape_cast %get3A_683 : vector<1x16xf32> to vector<16xf32>
        %add3A_685 = arith.addf %get3A_678, %get3A_684 : vector<16xf32>
        %swap3A_686 = arith.index_cast %scan3A_212 : i32 to index
        %swap3A_687 = arith.constant 464 : index
        %swap3A_688 = tpu.vector_load %arg11[%swap3A_686, %swap3A_687] {strides = array<i32>} : memref<32x512xf32, #tpu.memory_space<vmem>>, vector<1x16xf32>,
        %swap3A_689 = vector.shape_cast %swap3A_688 : vector<1x16xf32> to vector<16xf32>
        %swap3A_690 = vector.shape_cast %add3A_685 : vector<16xf32> to vector<1x16xf32>
        tpu.vector_store %arg11[%swap3A_686, %swap3A_687], %swap3A_690 {strides = array<i32>} : memref<32x512xf32, #tpu.memory_space<vmem>>, vector<1x16xf32>,
        %get3A_691 = arith.index_cast %scan3A_212 : i32 to index
        %get3A_692 = arith.constant 480 : index
        %get3A_693 = tpu.vector_load %arg9[%get3A_691, %get3A_692] {strides = array<i32>} : memref<32x512xf32, #tpu.memory_space<vmem>>, vector<1x16xf32>,
        %get3A_694 = vector.shape_cast %get3A_693 : vector<1x16xf32> to vector<16xf32>
        %add3A_695 = arith.constant 32 : i32
        %add3A_696 = arith.addi %add3A_695, %scan3A_212 : i32
        %get3A_697 = arith.index_cast %add3A_696 : i32 to index
        %get3A_698 = arith.constant 480 : index
        %get3A_699 = tpu.vector_load %arg6[%get3A_697, %get3A_698] {strides = array<i32>} : memref<64x512xf32, #tpu.memory_space<vmem>>, vector<1x16xf32>,
        %get3A_700 = vector.shape_cast %get3A_699 : vector<1x16xf32> to vector<16xf32>
        %add3A_701 = arith.addf %get3A_694, %get3A_700 : vector<16xf32>
        %swap3A_702 = arith.index_cast %scan3A_212 : i32 to index
        %swap3A_703 = arith.constant 480 : index
        %swap3A_704 = tpu.vector_load %arg11[%swap3A_702, %swap3A_703] {strides = array<i32>} : memref<32x512xf32, #tpu.memory_space<vmem>>, vector<1x16xf32>,
        %swap3A_705 = vector.shape_cast %swap3A_704 : vector<1x16xf32> to vector<16xf32>
        %swap3A_706 = vector.shape_cast %add3A_701 : vector<16xf32> to vector<1x16xf32>
        tpu.vector_store %arg11[%swap3A_702, %swap3A_703], %swap3A_706 {strides = array<i32>} : memref<32x512xf32, #tpu.memory_space<vmem>>, vector<1x16xf32>,
        %get3A_707 = arith.index_cast %scan3A_212 : i32 to index
        %get3A_708 = arith.constant 496 : index
        %get3A_709 = tpu.vector_load %arg9[%get3A_707, %get3A_708] {strides = array<i32>} : memref<32x512xf32, #tpu.memory_space<vmem>>, vector<1x16xf32>,
        %get3A_710 = vector.shape_cast %get3A_709 : vector<1x16xf32> to vector<16xf32>
        %add3A_711 = arith.constant 32 : i32
        %add3A_712 = arith.addi %add3A_711, %scan3A_212 : i32
        %get3A_713 = arith.index_cast %add3A_712 : i32 to index
        %get3A_714 = arith.constant 496 : index
        %get3A_715 = tpu.vector_load %arg6[%get3A_713, %get3A_714] {strides = array<i32>} : memref<64x512xf32, #tpu.memory_space<vmem>>, vector<1x16xf32>,
        %get3A_716 = vector.shape_cast %get3A_715 : vector<1x16xf32> to vector<16xf32>
        %add3A_717 = arith.addf %get3A_710, %get3A_716 : vector<16xf32>
        %swap3A_718 = arith.index_cast %scan3A_212 : i32 to index
        %swap3A_719 = arith.constant 496 : index
        %swap3A_720 = tpu.vector_load %arg11[%swap3A_718, %swap3A_719] {strides = array<i32>} : memref<32x512xf32, #tpu.memory_space<vmem>>, vector<1x16xf32>,
        %swap3A_721 = vector.shape_cast %swap3A_720 : vector<1x16xf32> to vector<16xf32>
        %swap3A_722 = vector.shape_cast %add3A_717 : vector<16xf32> to vector<1x16xf32>
        tpu.vector_store %arg11[%swap3A_718, %swap3A_719], %swap3A_722 {strides = array<i32>} : memref<32x512xf32, #tpu.memory_space<vmem>>, vector<1x16xf32>,
      }
      %scan3A_203 = arith.constant 32 : i32
      %dma_start3A_204 = arith.constant 32 : i32
      %dma_start3A_205 = arith.constant 0 : i32
      %dma_start3A_206 = tpu.memref_slice %arg5[%scan3A_62, %add3A, %dma_start3A_204, %dma_start3A_205] : memref<64x32x64x512xf32, #tpu.memory_space<hbm>> -> memref<1x1x32x512xf32, #tpu.memory_space<hbm>>
      %dma_start3A_207 = tpu.memref_squeeze %dma_start3A_206 : memref<1x1x32x512xf32, #tpu.memory_space<hbm>> -> memref<32x512xf32, #tpu.memory_space<hbm>>
      %dma_start3A_208 = arith.constant 32 : i32
      %dma_start3A_209 = arith.constant 0 : i32
      %dma_start3A_210 = tpu.memref_slice %arg5[%scan3A_62, %add3A, %dma_start3A_208, %dma_start3A_209] : memref<64x32x64x512xf32, #tpu.memory_space<hbm>> -> memref<1x1x32x512xf32, #tpu.memory_space<hbm>>
      %dma_start3A_211 = tpu.memref_squeeze %dma_start3A_210 : memref<1x1x32x512xf32, #tpu.memory_space<hbm>> -> memref<32x512xf32, #tpu.memory_space<hbm>>
      tpu.enqueue_dma source(%arg11 : memref<32x512xf32, #tpu.memory_space<vmem>>) target(%dma_start3A_211 : memref<32x512xf32, #tpu.memory_space<hbm>>) target_semaphore(%arg17 : memref<!tpu.dma_semaphore, #tpu.memory_space<semaphore_mem>>)
    }
    %scan3A_44 = arith.constant 64 : i32
    %dma_wait3A = arith.constant 63 : i32
    %dma_wait3A_45 = arith.constant 0 : i32
    %dma_wait3A_46 = arith.constant 0 : i32
    %dma_wait3A_47 = tpu.memref_slice %arg5[%dma_wait3A, %add3A, %dma_wait3A_45, %dma_wait3A_46] : memref<64x32x64x512xf32, #tpu.memory_space<hbm>> -> memref<1x1x32x512xf32, #tpu.memory_space<hbm>>
    %dma_wait3A_48 = tpu.memref_squeeze %dma_wait3A_47 : memref<1x1x32x512xf32, #tpu.memory_space<hbm>> -> memref<32x512xf32, #tpu.memory_space<hbm>>
    %dma_wait3A_49 = arith.constant 0 : i32
    %dma_wait3A_50 = arith.constant 0 : i32
    %dma_wait3A_51 = tpu.memref_slice %arg5[%dma_wait3A, %add3A, %dma_wait3A_49, %dma_wait3A_50] : memref<64x32x64x512xf32, #tpu.memory_space<hbm>> -> memref<1x1x32x512xf32, #tpu.memory_space<hbm>>
    %dma_wait3A_52 = tpu.memref_squeeze %dma_wait3A_51 : memref<1x1x32x512xf32, #tpu.memory_space<hbm>> -> memref<32x512xf32, #tpu.memory_space<hbm>>
    tpu.wait_dma2 semaphore(%arg16 : memref<!tpu.dma_semaphore, #tpu.memory_space<semaphore_mem>>) src(%arg10 : memref<32x512xf32, #tpu.memory_space<vmem>>) dst(%dma_wait3A_52 : memref<32x512xf32, #tpu.memory_space<hbm>>)
    %dma_wait3A_53 = arith.constant 63 : i32
    %dma_wait3A_54 = arith.constant 32 : i32
    %dma_wait3A_55 = arith.constant 0 : i32
    %dma_wait3A_56 = tpu.memref_slice %arg5[%dma_wait3A_53, %add3A, %dma_wait3A_54, %dma_wait3A_55] : memref<64x32x64x512xf32, #tpu.memory_space<hbm>> -> memref<1x1x32x512xf32, #tpu.memory_space<hbm>>
    %dma_wait3A_57 = tpu.memref_squeeze %dma_wait3A_56 : memref<1x1x32x512xf32, #tpu.memory_space<hbm>> -> memref<32x512xf32, #tpu.memory_space<hbm>>
    %dma_wait3A_58 = arith.constant 32 : i32
    %dma_wait3A_59 = arith.constant 0 : i32
    %dma_wait3A_60 = tpu.memref_slice %arg5[%dma_wait3A_53, %add3A, %dma_wait3A_58, %dma_wait3A_59] : memref<64x32x64x512xf32, #tpu.memory_space<hbm>> -> memref<1x1x32x512xf32, #tpu.memory_space<hbm>>
    %dma_wait3A_61 = tpu.memref_squeeze %dma_wait3A_60 : memref<1x1x32x512xf32, #tpu.memory_space<hbm>> -> memref<32x512xf32, #tpu.memory_space<hbm>>
    tpu.wait_dma2 semaphore(%arg17 : memref<!tpu.dma_semaphore, #tpu.memory_space<semaphore_mem>>) src(%arg11 : memref<32x512xf32, #tpu.memory_space<vmem>>) dst(%dma_wait3A_61 : memref<32x512xf32, #tpu.memory_space<hbm>>)
    return
  }
}

module attributes {stable_mosaic.version = 14 : i64} {
  func.func @_pe_body(%arg0: memref<2048x512xf32, #tpu.memory_space<vmem>>) attributes {dimension_semantics = [], scalar_prefetch = 0 : i64, scratch_operands = 0 : i64, tpu.core_type = #tpu.core_type<tc>} {
    %iota3A = tpu.iota {dimensions = array<i32: 0>} : vector<2048x512xi32>
    %convert_element_type3A = arith.sitofp %iota3A : vector<2048x512xi32> to vector<2048x512xf32>
    %iota3A_0 = tpu.iota {dimensions = array<i32: 1>} : vector<2048x512xi32>
    %rem3A = arith.constant 2 : i32
    %rem3A_1 = vector.broadcast %rem3A : i32 to vector<2048x512xi32>
    %rem3A_2 = arith.remsi %iota3A_0, %rem3A_1 : vector<2048x512xi32>
    %sub3A = arith.subi %iota3A_0, %rem3A_2 : vector<2048x512xi32>
    %convert_element_type3A_3 = arith.sitofp %sub3A : vector<2048x512xi32> to vector<2048x512xf32>
    %log3A = arith.constant 1.000000e+04 : f32
    %log3A_4 = math.log %log3A : f32
    %div3A = arith.constant 5.120000e+02 : f32
    %div3A_5 = arith.divf %log3A_4, %div3A : f32
    %mul3A = vector.broadcast %div3A_5 : f32 to vector<2048x512xf32>
    %mul3A_6 = arith.mulf %convert_element_type3A_3, %mul3A : vector<2048x512xf32>
    %exp3A = math.exp %mul3A_6 : vector<2048x512xf32>
    %div3A_7 = arith.divf %convert_element_type3A, %exp3A : vector<2048x512xf32>
    %rem3A_8 = arith.constant 2 : i32
    %rem3A_9 = vector.broadcast %rem3A_8 : i32 to vector<2048x512xi32>
    %rem3A_10 = arith.remsi %iota3A_0, %rem3A_9 : vector<2048x512xi32>
    %eq3A = arith.constant 0 : i32
    %eq3A_11 = vector.broadcast %eq3A : i32 to vector<2048x512xi32>
    %eq3A_12 = arith.cmpi eq, %rem3A_10, %eq3A_11 : vector<2048x512xi32>
    %sin3A = math.sin %div3A_7 : vector<2048x512xf32>
    %cos3A = math.cos %div3A_7 : vector<2048x512xf32>
    %select_n3A = arith.select %eq3A_12, %sin3A, %cos3A : vector<2048x512xi1>, vector<2048x512xf32>
    %swap3A = arith.constant 0 : index
    %swap3A_13 = arith.constant 0 : index
    %swap3A_14 = vector.load %arg0[%swap3A, %swap3A_13] : memref<2048x512xf32, #tpu.memory_space<vmem>>, vector<2048x512xf32>
    tpu.vector_store %arg0[%swap3A, %swap3A_13], %select_n3A {strides = array<i32>} : memref<2048x512xf32, #tpu.memory_space<vmem>>, vector<2048x512xf32>,
    return
  }
}

</mosaic_0001>

<sc_bundles>
// kernel: kernel.4.cloned.1.call-start
scs
__scs_entry_jumppad:
0x0: {  	(pc) =	sbr.rel $0x88, $3  }
0x1: {  	(tag) =	ssettag $0x0;
	lr =	simm.s32 $0x1  }
0x2: {  	[smem:$0x3F9F] =	sst lr;
	_ =	strace $0xD0000000  }
0x3: {  	_ = 	snop  }
0x4: {  	_ = 	snop  }
0x5: {  	_ = 	snop  }
0x6: {  	_ = 	snop  }
0x7: {  	_ = 	snop  }
__scs_overlays_trampoline_lowered:
0x8: {  	[smem:$0x3FAE] =	sst s0  }
0x9: {  	[smem:$0x3FAF] =	sst s1  }
0xa: {  	[smem:$0x3FB0] =	sst s2  }
0xb: {  	[smem:$0x3FB1] =	sst s3  }
0xc: {  	[smem:$0x3FB2] =	sst s4  }
0xd: {  	[smem:$0x3FB3] =	sst s5  }
0xe: {  	[smem:$0x3FB4] =	sst s6  }
0xf: {  	[smem:$0x3FB5] =	sst s7  }
0x10: {  	[smem:$0x3FB6] =	sst s8  }
0x11: {  	[smem:$0x3FB7] =	sst s9;
	s0 =	simm.s32 @!p0 $0x0  }
0x12: {  	s1 =	sld [smem:$0x3F9D];
	s0 =	simm.s32 @p0 $0x1  }
0x13: {  	[smem:$0x3FB8] =	sst s0;
	s0 =	simm.s32 @!p1 $0x0  }
0x14: {  	s2 =	sld [smem:$0x3F9C];
	s0 =	simm.s32 @p1 $0x1  }
0x15: {  	[smem:$0x3FB9] =	sst s0;
	s0 =	simm.s32 @!p2 $0x0  }
0x16: {  	s3 =	sld [smem:$0x3FDB];
	s0 =	simm.s32 @p2 $0x1  }
0x17: {  	s4 =	simm.s32 $0x1BF5;
	[smem:$0x3FBB] =	sst s0  }
0x18: {  	s0 =	sld [smem:$0x3F9E];
	_ =	swait.ge [sflag:s4], $0x0  }
0x19: {  	s7 =	sld [smem:$0x3F9F]  }
0x1a: {  	s8 =	sadd.s32 $0xFFFFE003, lr  }
0x1b: {  	s9 =	sadd.s32 $0xFFFFFEF7, lr;
	s5 =	simm.s32 $0xFFFFFFFF;
	p2 =	slt.u32 s8, $0xFFFFF086  }
0x1c: {  	p1 =	slt.u32 s9, $0xF7A;
	s5 =	simm.s32 @!p2 $0x0  }
0x1d: {  	s5 =	simm.s32 @p1 $0x1;
	p0 =	seq.s32 s7, s2  }
0x1e: {  	s7 =	smul.u32 @!p0 $0xF7A, s2;
	p2 =	seq.s32 @!p0 s5, $0x0  }
0x1f: {  	s9 =	smul.u32 $0xF7A, s1;
	s8 =	simm.s32 @!p0 $0x1BF5;
	p2 =	por !p2, p0  }
0x20: {  	[sflag:s8] =	ssyncset.s32 @!p0 $0xFFFFF086;
	s6 =	sadd.s32 @!p0 s3, s7;
	s7 =	simm.s32 @!p0 $0x108  }
0x21: {  	s3 =	sadd.s32 s3, s9;
	s6 =	sadd.s32 @!p0 $0x88, s6;
	s7 =	simm.s32 @p2 $0x1082  }
0x22: {  	[simem:s7], [sflag:s8] =	dma.local @!p0 [hbm:s6], $0xF7A  }
0x23: {  	s9 =	sor.u32 $0xD0000000, s2;
	s6 =	simm.s32 $0x108;
	_ =	swait.ge @!p0 [sflag:s8], $0x0  }
0x24: {  	s3 =	sadd.s32 $0x88, s3;
	s6 =	simm.s32 @!p1 $0x1082;
	[sflag:s4] =	ssyncset.s32 $0xFFFFF086  }
0x25: {  	[simem:s6], [sflag:s4] =	dma.local [hbm:s3], $0xF7A  }
0x26: {  	[smem:$0x3F9F] =	sst s1;
	(tag) =	ssettag s2;
	_ =	strace s9  }
0x27: {  	s1 =	sld [smem:$0x3FAF]  }
0x28: {  	s2 =	sld [smem:$0x3FB0]  }
0x29: {  	s4 =	sld [smem:$0x3FB2]  }
0x2a: {  	p0 =	seq.s32 s5, $0x0;
	s5 =	sld [smem:$0x3FB3]  }
0x2b: {  	s6 =	sld [smem:$0x3FB4]  }
0x2c: {  	s7 =	sld [smem:$0x3FB5]  }
0x2d: {  	s3 =	simm.s32 $0x108;
	s8 =	sld [smem:$0x3FB6]  }
0x2e: {  	s3 =	simm.s32 @!p0 $0x1082;
	s9 =	sld [smem:$0x3FB7]  }
0x2f: {  	lr =	sadd.s32 s0, s3;
	s0 =	sld [smem:$0x3FAE]  }
0x30: {  	s3 =	sld [smem:$0x3FB1]  }
0x31: {  	[smem:$0x3FBA] =	sst s10  }
0x32: {  	s10 =	sld [smem:$0x3FB8];
	_ =	sdelay $0x3  }
0x33: {  	p0 =	seq.s32 s10, $0x1;
	s10 =	sld [smem:$0x3FBA];
	_ =	sdelay $0x3  }
0x34: {  	[smem:$0x3FBA] =	sst s10  }
0x35: {  	s10 =	sld [smem:$0x3FB9];
	_ =	sdelay $0x3  }
0x36: {  	p1 =	seq.s32 s10, $0x1;
	s10 =	sld [smem:$0x3FBA];
	_ =	sdelay $0x3  }
0x37: {  	[smem:$0x3FBA] =	sst s10  }
0x38: {  	s10 =	sld [smem:$0x3FBB]  }
0x39: {  	_ = 	snop;
	(pc) =	sbr.ind lr, $3  }
0x3a: {  	_ = 	snop  }
0x3b: {  	_ = 	snop  }
0x3c: {  	p2 =	seq.s32 s10, $0x1;
	s10 =	sld [smem:$0x3FBA]  }
0x3d: {  	_ =	shalt  }
0x3e: {  	_ =	shalt  }
0x3f: {  	_ =	shalt  }
0x40: {  	_ =	shalt  }
0x41: {  	_ =	shalt  }
0x42: {  	_ =	shalt  }
0x43: {  	_ =	shalt  }
0x44: {  	_ =	shalt  }
0x45: {  	_ =	shalt  }
0x46: {  	_ =	shalt  }
0x47: {  	_ =	shalt  }
0x48: {  	_ =	shalt  }
0x49: {  	_ =	shalt  }
0x4a: {  	_ =	shalt  }
0x4b: {  	_ =	shalt  }
0x4c: {  	_ =	shalt  }
0x4d: {  	_ =	shalt  }
0x4e: {  	_ =	shalt  }
0x4f: {  	_ =	shalt  }
0x50: {  	_ =	shalt  }
0x51: {  	_ =	shalt  }
0x52: {  	_ =	shalt  }
0x53: {  	_ =	shalt  }
0x54: {  	_ =	shalt  }
0x55: {  	_ =	shalt  }
0x56: {  	_ =	shalt  }
0x57: {  	_ =	shalt  }
0x58: {  	_ =	shalt  }
0x59: {  	_ =	shalt  }
0x5a: {  	_ =	shalt  }
0x5b: {  	_ =	shalt  }
0x5c: {  	_ =	shalt  }
0x5d: {  	_ =	shalt  }
0x5e: {  	_ =	shalt  }
0x5f: {  	_ =	shalt  }
0x60: {  	_ =	shalt  }
0x61: {  	_ =	shalt  }
0x62: {  	_ =	shalt  }
0x63: {  	_ =	shalt  }
0x64: {  	_ =	shalt  }
0x65: {  	_ =	shalt  }
0x66: {  	_ =	shalt  }
0x67: {  	_ =	shalt  }
0x68: {  	_ =	shalt  }
0x69: {  	_ =	shalt  }
0x6a: {  	_ =	shalt  }
0x6b: {  	_ =	shalt  }
0x6c: {  	_ =	shalt  }
0x6d: {  	_ =	shalt  }
0x6e: {  	_ =	shalt  }
0x6f: {  	_ =	shalt  }
0x70: {  	_ =	shalt  }
0x71: {  	_ =	shalt  }
0x72: {  	_ =	shalt  }
0x73: {  	_ =	shalt  }
0x74: {  	_ =	shalt  }
0x75: {  	_ =	shalt  }
0x76: {  	_ =	shalt  }
0x77: {  	_ =	shalt  }
0x78: {  	_ =	shalt  }
0x79: {  	_ =	shalt  }
0x7a: {  	_ =	shalt  }
0x7b: {  	_ =	shalt  }
0x7c: {  	_ =	shalt  }
0x7d: {  	_ =	shalt  }
0x7e: {  	_ =	shalt  }
0x7f: {  	_ =	shalt  }
0x80: {  	_ =	shalt  }
0x81: {  	_ =	shalt  }
0x82: {  	_ =	shalt  }
0x83: {  	_ =	shalt  }
0x84: {  	_ =	shalt  }
0x85: {  	_ =	shalt  }
0x86: {  	_ =	shalt  }
0x87: {  	_ =	shalt  }
.Lfunc_end0:
.L_simem_size_0:
called_computation_lowered:
.L_overlay_start_0:
0x88: {  	s2 =	sld [smem:$0x3FD9]  }
0x89: {  	s3 =	sld [smem:$0x3FFE];
	_ =	sdelay $0x1  }
0x8a: {  	s1 =	srdreg.scid  }
0x8b: {  	s0 =	sand.u32 $0x1, s1  }
0x8c: {  	s17 =	sshll.u32 s0, $0xA;
	s2 =	sadd.s32 s3, s2  }
0x8d: {  	s2 =	sadd.s32 s2, s17  }
0x8e: {  	[smem:$0x3FC6] =	sst s2  }
0x8f: {  	_ = 	snop  }
0x90: {  	s2 =	sld [smem:$0x3FD0];
	(tm) =	ssettm $0x1  }
0x91: {  	s18 =	sld [smem:$0x3FFB];
	_ =	sdelay $0x3  }
0x92: {  	_ =	strace s18  }
0x93: {  	s3 =	sld [smem:$0x3FFC];
	_ =	sdelay $0x3  }
0x94: {  	_ =	strace s3  }
0x95: {  	s3 =	sld [smem:$0x3FFD];
	_ =	sdelay $0x3  }
0x96: {  	_ =	strace s3  }
0x97: {  	_ =	strace $0x8FFFFFFF  }
0x98: {  	s19 =	sld [smem:$0x3FDB];
	_ =	sdelay $0x1  }
0x99: {  	s4 =	simm.s32 $_scs_section_size  }
0x9a: {  	s5 =	simm.s32 $_size__tile_overlayer_lowered;
	s6 =	simm.s32 $_tile_overlayer_lowered  }
0x9b: {  	s22 =	simm.s32 $0x1BFF;
	s21 =	sshll.u32 s6, $0x1;
	s3 =	sadd.s32 s4, s19  }
0x9c: {  	s7 =	simm.s32 $0x0;
	s20 =	sshll.u32 s5, $0x1;
	s5 =	sadd.s32 s21, s3  }
0x9d: {  	[timem:s7], [sflag:s22] =	dma.local [hbm:s5], s20  }
0x9e: {  	_ =	swait.ge [sflag:s22], s20  }
0x9f: {  	s4 =	ssub.s32 $0x0, s20;
	[sflag:s22] =	ssyncset.done $0x0  }
0xa0: {  	[sflag:s22] =	ssyncadd.s32 s4;
	_ =	sdelay $0x1  }
0xa1: {  	s23 =	simm.s32 $0x1B8B  }
0xa2: {  	_ =	swait.ge [sflag:s23], $0x1  }
0xa3: {  	[sflag:s23] =	ssyncset.done $0x0  }
0xa4: {  	s25 =	simm.s32 $0x1B8E;
	s24 =	sld [smem:$0x3FFE];
	[sflag:s23] =	ssyncadd.s32 $0xFFFFFFFF  }
0xa5: {  	s26 =	simm.s32 $execute0_lowered;
	[smem:$0x3FD2] =	sst s25  }
0xa6: {  	s5 =	sshll.u32 s26, $0x1;
	_ =	strace $0x80000046;
	[dreg:$0x1] =	wrdreg $0xFFFFFFFF  }
0xa7: {  	s28 =	simm.s32 $_size_execute0_lowered;
	s3 =	sadd.s32 s3, s5;
	[dreg:$0x0] =	wrdreg $0x0  }
0xa8: {  	s5 =	sshll.u32 s28, $0x1;
	[dreg:$0x2] =	wrdreg s3  }
0xa9: {  	[dreg:$0x3] =	wrdreg s5  }
0xaa: {  	[dreg:$0x4] =	wrdreg $0xC0  }
0xab: {  	_ =	task [dreg:s7], $0x5FFFF  }
0xac: {  	[dreg:$0x1] =	wrdreg $0xFFFFFFFF  }
0xad: {  	[dreg:$0x0] =	wrdreg $0x60  }
0xae: {  	[dreg:$0x2] =	wrdreg s24  }
0xaf: {  	[dreg:$0x3] =	wrdreg s2  }
0xb0: {  	[dreg:$0x4] =	wrdreg $0x9  }
0xb1: {  	_ =	task.clear_ibuf [dreg:s7], $0x5FFFF;
	_ =	strace $0x90000046  }
0xb2: {  	s29 =	simm.s32 $0x9;
	_ =	strace $0x80000048  }
0xb3: {  	_ =	swait.ge [sflag:s29], $0x1  }
0xb4: {  	[sflag:s29] =	ssyncadd.s32 $0xFFFFFFFF  }
0xb5: {  	_ =	strace $0x90000048  }
0xb6: {  	_ =	sfence  }
0xb7: {  	s30 =	sld [smem:$0x0];
	_ =	sdelay $0x2  }
0xb8: {  	s31 =	sshll.u32 s1, $0xD;
	s1 =	sshrl.u32 s1, $0x2  }
0xb9: {  	s3 =	sand.u32 $0x4000, s31;
	s1 =	sadd.s32 s1, s30  }
0xba: {  	s0 =	sor.u32 s3, s0;
	s1 =	sshll.u32 s1, $0x11  }
0xbb: {  	s0 =	sor.u32 s1, s0  }
0xbc: {  	s0 =	sadd.s32 $0x8F2B, s0  }
0xbd: {  	[sflag:s0] =	ssyncadd.remote.s32 $0x1  }
0xbe: {  	_ =	sfence.sel $0xFFFF  }
0xbf: {  	[dreg:$0x0] =	wrdreg $0xFFFFFFFF;
	(pc) =	sbr.abs _section_cstart, $3  }
0xc0: {  	[dreg:$0x1] =	wrdreg $0xFFFFFFFF  }
0xc1: {  	_ =	task.clear_ibuf [dreg:s7], $0x2FFFF;
	_ =	strace $0x9FFFFFFF  }
0xc2: {  	(tm) =	ssettm $0x7FFFFFFF  }
0xc3: {  	_ =	shalt  }
tec
execute0_lowered:
.L_overlay_start_1:
0x0: {  	(tag) =	ssettag $0x1  }
0x1: {  	s0 =	rddreg [dreg:$0x0]  }
0x2: {  	s2 =	rddreg [dreg:$0x1]  }
0x3: {  	s1 =	srdreg.scid;
	s4 =	stileid.u32  }
0x4: {  	s3 =	simm.s32 $0x0;
	s11 =	simm.s32 $0x7;
	s21 =	simm.s32 $0xE000  }
0x5: {  	s22 =	simm.s32 $0xE800;
	s23 =	simm.s32 $0xF000;
	s24 =	simm.s32 $0xF800  }
0x6: {  	s25 =	simm.s32 $0x10000;
	s26 =	simm.s32 $0x10800;
	s28 =	simm.s32 $0x11000  }
0x7: {  	s29 =	simm.s32 $0x11800;
	s30 =	simm.s32 $0x1;
	s31 =	simm.s32 $0x2  }
0x8: {  	s12 =	simm.s32 $0x4;
	s13 =	simm.s32 $0x16000;
	s14 =	simm.s32 $0x5  }
0x9: {  	s15 =	simm.s32 $0x6;
	s16 =	simm.s32 $0x0;
	s1 =	sand.u32 $0x1, s1  }
0xa: {  	s4 =	sshll.u32 s4, $0x1;
	[smem:$0x7FF] =	sst s3;
	s9 =	sadd.s32 $0x800, s2  }
0xb: {  	s4 =	sor.u32 s1, s4;
	_ =	strace $0x80000047;
	s1 =	ssub.s32 $0x2, s1  }
0xc: {  	s5 =	sshll.u32 s4, $0xA;
	s4 =	sshll.u32 s4, $0xC;
	s8 =	sshrl.u32 s1, $0x1  }
0xd: {  	s6 =	sadd.s32 s5, s0;
	s5 =	sadd.s32 $0x20800, s0;
	s7 =	sadd.s32 s4, s0  }
0xe: {  	v0 =	vlaneseq.u32;
	s1 =	ssub.s32 s1, s8;
	s8 =	sadd.s32 $0x20900, s0;
	s7 =	sadd.s32 $0x800, s7  }
0xf: {  	v1 =	vshrl.u32 v0, $0x3;
	s0 =	simm.s32 $0x12000;
	s6 =	sadd.s32 $0x46800, s6;
	[dreg:$0x3] =	wrdreg s7  }
0x10: {  	vm0 =	vmmov $0xffff;
	v0 =	vand.u32 $0x7, v0;
	v1 =	vmul.u32 $0x8, v1;
	s10 =	smax.u32 s1, $0x1;
	s1 =	simm.s32 $0x3;
	[dreg:$0x4] =	wrdreg s6  }
.LBB2_1:
0x11: {  	s6 =	rddreg [dreg:$0x3]  }
0x12: {  	[tilespmem:s3], [sflag:$0x7] =	stream.linear.gather [hbm4b:s6+s3], $0x8000, $0x38;
	[tilespmem:$0x1A000] =	vst v63  }
0x13: {  	_ =	swait.ge [sflag:s11], $0x8000  }
0x14: {  	[sflag:s11] =	ssyncset.done $0x0  }
0x15: {  	s7 =	simm.s32 $0x8000;
	s17 =	rddreg [dreg:$0x4];
	[sflag:s11] =	ssyncadd.s32 $0xFFFF8000  }
0x16: {  	[tilespmem:s7], [sflag:$0x7] =	stream.linear.gather [hbm4b:s17+s3], $0x2000, $0x38;
	[tilespmem:$0x1A000] =	vst v63  }
0x17: {  	_ =	swait.ge [sflag:s11], $0x2000  }
0x18: {  	[sflag:s11] =	ssyncset.done $0x0  }
0x19: {  	[sflag:s11] =	ssyncadd.s32 $0xFFFFE000  }
0x1a: {  	v2 =	vld.msk [tilespmem:$0x8000], $0xff;
	_ =	sdelay $0x4  }
0x1b: {  	v3 =	vshll.u32 v2, $0x2  }
0x1c: {  	v2 =	vand.u32 $0x7, v2;
	v3 =	vand.u32 $0xFFFFFFE0, v3  }
0x1d: {  	v2 =	vor.u32 v2, v3  }
0x1e: {  	v2 =	vperm.xlane v2, v0;
	_ =	sdelay $0x1  }
0x1f: {  	v2 =	vadd.s32 v1, v2;
	_ =	sdelay $0x3  }
0x20: {  	s18 =	simm.s32 $0xA000  }
0x21: {  	[tilespmem:s18], [sflag:$0x1] =	stream.indirect_vreg.gather [hbm4b:s5+s3], $0x80, v2, vm0, $0xb8;
	[tilespmem:$0x1A000] =	vst v63  }
0x22: {  	s19 =	simm.s32 $0xA800  }
0x23: {  	[tilespmem:s19], [sflag:$0x1] =	stream.indirect_vreg.gather [hbm4b:s8+s3], $0x80, v2, vm0, $0xb8;
	[tilespmem:$0x1A000] =	vst v63  }
0x24: {  	v2 =	vld.msk [tilespmem:$0x8008], $0xff;
	_ =	sdelay $0x4  }
0x25: {  	v3 =	vshll.u32 v2, $0x2  }
0x26: {  	v2 =	vand.u32 $0x7, v2;
	v3 =	vand.u32 $0xFFFFFFE0, v3  }
0x27: {  	v2 =	vor.u32 v2, v3  }
0x28: {  	v2 =	vperm.xlane v2, v0;
	_ =	sdelay $0x1  }
0x29: {  	v2 =	vadd.s32 v1, v2;
	_ =	sdelay $0x3  }
0x2a: {  	s20 =	simm.s32 $0xB000  }
0x2b: {  	[tilespmem:s20], [sflag:$0x2] =	stream.indirect_vreg.gather [hbm4b:s5+s3], $0x80, v2, vm0, $0xb8;
	[tilespmem:$0x1A000] =	vst v63  }
0x2c: {  	s7 =	simm.s32 $0xB800  }
0x2d: {  	[tilespmem:s7], [sflag:$0x2] =	stream.indirect_vreg.gather [hbm4b:s8+s3], $0x80, v2, vm0, $0xb8;
	[tilespmem:$0x1A000] =	vst v63  }
0x2e: {  	v2 =	vld.msk [tilespmem:$0x8010], $0xff;
	_ =	sdelay $0x4  }
0x2f: {  	v3 =	vshll.u32 v2, $0x2  }
0x30: {  	v2 =	vand.u32 $0x7, v2;
	v3 =	vand.u32 $0xFFFFFFE0, v3  }
0x31: {  	v2 =	vor.u32 v2, v3  }
0x32: {  	v2 =	vperm.xlane v2, v0;
	_ =	sdelay $0x1  }
0x33: {  	v2 =	vadd.s32 v1, v2;
	_ =	sdelay $0x3  }
0x34: {  	s17 =	simm.s32 $0xC000  }
0x35: {  	[tilespmem:s17], [sflag:$0x1] =	stream.indirect_vreg.gather [hbm4b:s5+s3], $0x80, v2, vm0, $0xb8;
	[tilespmem:$0x1A000] =	vst v63  }
0x36: {  	s18 =	simm.s32 $0xC800  }
0x37: {  	[tilespmem:s18], [sflag:$0x1] =	stream.indirect_vreg.gather [hbm4b:s8+s3], $0x80, v2, vm0, $0xb8;
	[tilespmem:$0x1A000] =	vst v63  }
0x38: {  	v2 =	vld.msk [tilespmem:$0x8018], $0xff;
	_ =	sdelay $0x4  }
0x39: {  	v3 =	vshll.u32 v2, $0x2  }
0x3a: {  	v2 =	vand.u32 $0x7, v2;
	v3 =	vand.u32 $0xFFFFFFE0, v3  }
0x3b: {  	v2 =	vor.u32 v2, v3  }
0x3c: {  	v2 =	vperm.xlane v2, v0;
	_ =	sdelay $0x1  }
0x3d: {  	v2 =	vadd.s32 v1, v2;
	_ =	sdelay $0x3  }
0x3e: {  	s19 =	simm.s32 $0xD000  }
0x3f: {  	[tilespmem:s19], [sflag:$0x2] =	stream.indirect_vreg.gather [hbm4b:s5+s3], $0x80, v2, vm0, $0xb8;
	[tilespmem:$0x1A000] =	vst v63  }
0x40: {  	s20 =	simm.s32 $0xD800;
	s19 =	simm.s32 $0x0  }
0x41: {  	[tilespmem:s20], [sflag:$0x2] =	stream.indirect_vreg.gather [hbm4b:s8+s3], $0x80, v2, vm0, $0xb8;
	[tilespmem:$0x1A000] =	vst v63  }
.LBB2_2:
0x42: {  	s6 =	sshll.u32 s19, $0x7  }
0x43: {  	s6 =	sand.u32 $0x3FFFFF80, s6  }
0x44: {  	v2 =	vld.msk [tilespmem:s6+$0x8020], $0xff;
	_ =	sdelay $0x4  }
0x45: {  	v3 =	vshll.u32 v2, $0x2  }
0x46: {  	v2 =	vand.u32 $0x7, v2;
	v3 =	vand.u32 $0xFFFFFFE0, v3  }
0x47: {  	v2 =	vor.u32 v2, v3  }
0x48: {  	v2 =	vperm.xlane v2, v0;
	_ =	sdelay $0x1  }
0x49: {  	v2 =	vadd.s32 v1, v2;
	_ =	sdelay $0x4  }
0x4a: {  	[tilespmem:s21], [sflag:$0x3] =	stream.indirect_vreg.gather [hbm4b:s5+s3], $0x80, v2, vm0, $0xb8;
	[tilespmem:$0x1A000] =	vst v63  }
0x4b: {  	_ = 	snop  }
0x4c: {  	[tilespmem:s22], [sflag:$0x3] =	stream.indirect_vreg.gather [hbm4b:s8+s3], $0x80, v2, vm0, $0xb8;
	[tilespmem:$0x1A000] =	vst v63  }
0x4d: {  	v2 =	vld.msk [tilespmem:s6+$0x8028], $0xff;
	_ =	sdelay $0x4  }
0x4e: {  	v3 =	vshll.u32 v2, $0x2  }
0x4f: {  	v2 =	vand.u32 $0x7, v2;
	v3 =	vand.u32 $0xFFFFFFE0, v3  }
0x50: {  	v2 =	vor.u32 v2, v3  }
0x51: {  	v2 =	vperm.xlane v2, v0;
	_ =	sdelay $0x1  }
0x52: {  	v2 =	vadd.s32 v1, v2;
	_ =	sdelay $0x4  }
0x53: {  	[tilespmem:s23], [sflag:$0x4] =	stream.indirect_vreg.gather [hbm4b:s5+s3], $0x80, v2, vm0, $0xb8;
	[tilespmem:$0x1A000] =	vst v63  }
0x54: {  	_ = 	snop  }
0x55: {  	[tilespmem:s24], [sflag:$0x4] =	stream.indirect_vreg.gather [hbm4b:s8+s3], $0x80, v2, vm0, $0xb8;
	[tilespmem:$0x1A000] =	vst v63  }
0x56: {  	v2 =	vld.msk [tilespmem:s6+$0x8030], $0xff;
	_ =	sdelay $0x4  }
0x57: {  	v3 =	vshll.u32 v2, $0x2  }
0x58: {  	v2 =	vand.u32 $0x7, v2;
	v3 =	vand.u32 $0xFFFFFFE0, v3  }
0x59: {  	v2 =	vor.u32 v2, v3  }
0x5a: {  	v2 =	vperm.xlane v2, v0;
	_ =	sdelay $0x1  }
0x5b: {  	v2 =	vadd.s32 v1, v2;
	_ =	sdelay $0x4  }
0x5c: {  	[tilespmem:s25], [sflag:$0x3] =	stream.indirect_vreg.gather [hbm4b:s5+s3], $0x80, v2, vm0, $0xb8;
	[tilespmem:$0x1A000] =	vst v63  }
0x5d: {  	_ = 	snop  }
0x5e: {  	[tilespmem:s26], [sflag:$0x3] =	stream.indirect_vreg.gather [hbm4b:s8+s3], $0x80, v2, vm0, $0xb8;
	[tilespmem:$0x1A000] =	vst v63  }
0x5f: {  	v2 =	vld.msk [tilespmem:s6+$0x8038], $0xff;
	_ =	sdelay $0x4  }
0x60: {  	v3 =	vshll.u32 v2, $0x2  }
0x61: {  	v2 =	vand.u32 $0x7, v2;
	v3 =	vand.u32 $0xFFFFFFE0, v3  }
0x62: {  	v2 =	vor.u32 v2, v3  }
0x63: {  	v2 =	vperm.xlane v2, v0;
	_ =	sdelay $0x1  }
0x64: {  	v2 =	vadd.s32 v1, v2;
	_ =	sdelay $0x4  }
0x65: {  	[tilespmem:s28], [sflag:$0x4] =	stream.indirect_vreg.gather [hbm4b:s5+s3], $0x80, v2, vm0, $0xb8;
	[tilespmem:$0x1A000] =	vst v63  }
0x66: {  	_ = 	snop  }
0x67: {  	[tilespmem:s29], [sflag:$0x4] =	stream.indirect_vreg.gather [hbm4b:s8+s3], $0x80, v2, vm0, $0xb8;
	[tilespmem:$0x1A000] =	vst v63  }
0x68: {  	_ =	swait.ge [sflag:s30], $0x1000  }
0x69: {  	[sflag:s30] =	ssyncset.done $0x0  }
0x6a: {  	[sflag:s30] =	ssyncadd.s32 $0xFFFFF000  }
0x6b: {  	_ =	swait.ge [sflag:s31], $0x1000  }
0x6c: {  	[sflag:s31] =	ssyncset.done $0x0  }
0x6d: {  	[sflag:s31] =	ssyncadd.s32 $0xFFFFF000  }
0x6e: {  	_ =	swait.ge [sflag:s30], $0x1000  }
0x6f: {  	[sflag:s30] =	ssyncset.done $0x0  }
0x70: {  	[sflag:s30] =	ssyncadd.s32 $0xFFFFF000  }
0x71: {  	_ =	swait.ge [sflag:s31], $0x1000  }
0x72: {  	p0 =	seq.s32 s19, $0x0;
	[sflag:s31] =	ssyncset.done $0x0  }
0x73: {  	s6 =	simm.s32 @!p0 $0x5;
	[sflag:s31] =	ssyncadd.s32 $0xFFFFF000  }
0x74: {  	s7 =	simm.s32 $0x0;
	_ =	swait.ge @!p0 [sflag:s6], $0x4000  }
0x75: {  	s17 =	sand.u32 $0x3000, s7;
	s7 =	sand.u32 $0x380, s7;
	[sflag:s6] =	ssyncset.done @!p0 $0x0  }
0x76: {  	s18 =	sor.u32 s7, s17;
	[sflag:s6] =	ssyncadd.s32 @!p0 $0xFFFFC000  }
0x77: {  	v2 =	vld [tilespmem:s18+$0xAC70]  }
0x78: {  	v3 =	vld [tilespmem:s18+$0xC70]  }
0x79: {  	v4 =	vld [tilespmem:s18+$0xA000]  }
0x7a: {  	v5 =	vld [tilespmem:s18+$0x0]  }
0x7b: {  	v6 =	vld [tilespmem:s18+$0xA010]  }
0x7c: {  	v7 =	vld [tilespmem:s18+$0x10]  }
0x7d: {  	v8 =	vld [tilespmem:s18+$0xA020]  }
0x7e: {  	v9 =	vld [tilespmem:s18+$0xA030]  }
0x7f: {  	v10 =	vld [tilespmem:s18+$0xC30];
	v2 =	vadd.f32 v3, v2  }
0x80: {  	v3 =	vld [tilespmem:s18+$0x20]  }
0x81: {  	v4 =	vadd.f32 v5, v4;
	[tilespmem:s18+$0x12C70] =	vst v2;
	v2 =	vld [tilespmem:s18+$0x30]  }
0x82: {  	v5 =	vld [tilespmem:s18+$0xA040]  }
0x83: {  	[tilespmem:s18+$0x12000] =	vst v4;
	v4 =	vadd.f32 v7, v6;
	v6 =	vld [tilespmem:s18+$0x40]  }
0x84: {  	v7 =	vld [tilespmem:s18+$0x50]  }
0x85: {  	[tilespmem:s18+$0x12010] =	vst v4;
	v4 =	vld [tilespmem:s18+$0xA050];
	v3 =	vadd.f32 v3, v8  }
0x86: {  	v8 =	vld [tilespmem:s18+$0x60];
	v2 =	vadd.f32 v2, v9  }
0x87: {  	[tilespmem:s18+$0x12020] =	vst v3;
	v3 =	vld [tilespmem:s18+$0xA060]  }
0x88: {  	[tilespmem:s18+$0x12030] =	vst v2;
	v2 =	vadd.f32 v6, v5;
	v5 =	vld [tilespmem:s18+$0xA070]  }
0x89: {  	v6 =	vld [tilespmem:s18+$0x70]  }
0x8a: {  	[tilespmem:s18+$0x12040] =	vst v2;
	v2 =	vadd.f32 v7, v4;
	v4 =	vld [tilespmem:s18+$0xA400]  }
0x8b: {  	v7 =	vld [tilespmem:s18+$0x400]  }
0x8c: {  	[tilespmem:s18+$0x12050] =	vst v2;
	v2 =	vadd.f32 v8, v3;
	v3 =	vld [tilespmem:s18+$0xA410]  }
0x8d: {  	v8 =	vld [tilespmem:s18+$0x410]  }
0x8e: {  	[tilespmem:s18+$0x12060] =	vst v2;
	v2 =	vadd.f32 v6, v5;
	v5 =	vld [tilespmem:s18+$0xA420]  }
0x8f: {  	v6 =	vld [tilespmem:s18+$0x420]  }
0x90: {  	[tilespmem:s18+$0x12070] =	vst v2;
	v2 =	vadd.f32 v7, v4;
	v4 =	vld [tilespmem:s18+$0xA430]  }
0x91: {  	v7 =	vld [tilespmem:s18+$0x430]  }
0x92: {  	[tilespmem:s18+$0x12400] =	vst v2;
	v2 =	vadd.f32 v8, v3;
	v3 =	vld [tilespmem:s18+$0xA440]  }
0x93: {  	v8 =	vld [tilespmem:s18+$0x440]  }
0x94: {  	[tilespmem:s18+$0x12410] =	vst v2;
	v2 =	vadd.f32 v6, v5;
	v5 =	vld [tilespmem:s18+$0xA450]  }
0x95: {  	v6 =	vld [tilespmem:s18+$0x450]  }
0x96: {  	[tilespmem:s18+$0x12420] =	vst v2;
	v2 =	vadd.f32 v7, v4;
	v4 =	vld [tilespmem:s18+$0xA460]  }
0x97: {  	v7 =	vld [tilespmem:s18+$0x460]  }
0x98: {  	[tilespmem:s18+$0x12430] =	vst v2;
	v2 =	vadd.f32 v8, v3;
	v3 =	vld [tilespmem:s18+$0xA470]  }
0x99: {  	v8 =	vld [tilespmem:s18+$0x470]  }
0x9a: {  	[tilespmem:s18+$0x12440] =	vst v2;
	v2 =	vadd.f32 v6, v5;
	v5 =	vld [tilespmem:s18+$0xA800]  }
0x9b: {  	v6 =	vld [tilespmem:s18+$0x800]  }
0x9c: {  	[tilespmem:s18+$0x12450] =	vst v2;
	v2 =	vadd.f32 v7, v4;
	v4 =	vld [tilespmem:s18+$0xA810]  }
0x9d: {  	v7 =	vld [tilespmem:s18+$0x810]  }
0x9e: {  	[tilespmem:s18+$0x12460] =	vst v2;
	v2 =	vadd.f32 v8, v3;
	v3 =	vld [tilespmem:s18+$0xA820]  }
0x9f: {  	v8 =	vld [tilespmem:s18+$0x820]  }
0xa0: {  	[tilespmem:s18+$0x12470] =	vst v2;
	v2 =	vadd.f32 v6, v5;
	v5 =	vld [tilespmem:s18+$0xA830]  }
0xa1: {  	v6 =	vld [tilespmem:s18+$0x830]  }
0xa2: {  	[tilespmem:s18+$0x12800] =	vst v2;
	v2 =	vadd.f32 v7, v4;
	v4 =	vld [tilespmem:s18+$0xA840]  }
0xa3: {  	v7 =	vld [tilespmem:s18+$0x840]  }
0xa4: {  	[tilespmem:s18+$0x12810] =	vst v2;
	v2 =	vadd.f32 v8, v3;
	v3 =	vld [tilespmem:s18+$0xA850]  }
0xa5: {  	v8 =	vld [tilespmem:s18+$0x850]  }
0xa6: {  	[tilespmem:s18+$0x12820] =	vst v2;
	v2 =	vadd.f32 v6, v5;
	v5 =	vld [tilespmem:s18+$0xA860]  }
0xa7: {  	v6 =	vld [tilespmem:s18+$0x860]  }
0xa8: {  	[tilespmem:s18+$0x12830] =	vst v2;
	v2 =	vadd.f32 v7, v4;
	v4 =	vld [tilespmem:s18+$0xA870]  }
0xa9: {  	v7 =	vld [tilespmem:s18+$0x870]  }
0xaa: {  	[tilespmem:s18+$0x12840] =	vst v2;
	v2 =	vadd.f32 v8, v3;
	v3 =	vld [tilespmem:s18+$0xAC00]  }
0xab: {  	v8 =	vld [tilespmem:s18+$0xC00]  }
0xac: {  	[tilespmem:s18+$0x12850] =	vst v2;
	v2 =	vadd.f32 v6, v5;
	v5 =	vld [tilespmem:s18+$0xAC10]  }
0xad: {  	v6 =	vld [tilespmem:s18+$0xC10]  }
0xae: {  	v9 =	vld [tilespmem:s18+$0xC20];
	[tilespmem:s18+$0x12860] =	vst v2;
	v2 =	vadd.f32 v7, v4  }
0xaf: {  	v7 =	vld [tilespmem:s18+$0xAC20]  }
0xb0: {  	[tilespmem:s18+$0x12870] =	vst v2;
	v2 =	vadd.f32 v8, v3;
	v8 =	vld [tilespmem:s18+$0xAC30]  }
0xb1: {  	v4 =	vld [tilespmem:s18+$0xC40]  }
0xb2: {  	v3 =	vadd.f32 v6, v5;
	[tilespmem:s18+$0x12C00] =	vst v2;
	v2 =	vld [tilespmem:s18+$0xAC40]  }
0xb3: {  	v5 =	vld [tilespmem:s18+$0xC50]  }
0xb4: {  	s7 =	simm.s32 $0x200;
	s17 =	simm.s32 $0x80;
	[tilespmem:s18+$0x12C10] =	vst v3;
	v6 =	vadd.f32 v9, v7;
	v3 =	vld [tilespmem:s18+$0xAC50]  }
0xb5: {  	s20 =	sand.u32 $0x380, s17;
	s6 =	sand.u32 $0x3000, s7;
	v7 =	vld [tilespmem:s18+$0xC60];
	v8 =	vadd.f32 v10, v8  }
0xb6: {  	s6 =	sor.u32 s20, s6;
	s20 =	simm.s32 $0x400;
	[tilespmem:s18+$0x12C20] =	vst v6;
	v6 =	vld [tilespmem:s18+$0xAC60]  }
.LBB2_3:
0xb7: {  	p1 =	sne.s32 s20, $0x3E00;
	v9 =	vld [tilespmem:s6+$0xAC70];
	[tilespmem:s18+$0x12C30] =	vst v8;
	v2 =	vadd.f32 v4, v2  }
0xb8: {  	v4 =	vld [tilespmem:s6+$0xC70]  }
0xb9: {  	v8 =	vld [tilespmem:s6+$0xA000];
	[tilespmem:s18+$0x12C40] =	vst v2;
	v2 =	vadd.f32 v5, v3  }
0xba: {  	v3 =	vld [tilespmem:s6+$0x0]  }
0xbb: {  	v5 =	vld [tilespmem:s6+$0xA010];
	[tilespmem:s18+$0x12C50] =	vst v2;
	v2 =	vadd.f32 v7, v6  }
0xbc: {  	v6 =	vld [tilespmem:s6+$0x10]  }
0xbd: {  	v7 =	vld [tilespmem:s6+$0xA020];
	v4 =	vadd.f32 v4, v9;
	[tilespmem:s18+$0x12C60] =	vst v2;
	s18 =	smov.u32 s6  }
0xbe: {  	v2 =	vld [tilespmem:s18+$0x20]  }
0xbf: {  	v3 =	vadd.f32 v3, v8;
	v8 =	vld [tilespmem:s18+$0xA030];
	[tilespmem:s18+$0x12C70] =	vst v4  }
0xc0: {  	v4 =	vld [tilespmem:s18+$0x30]  }
0xc1: {  	[tilespmem:s18+$0x12000] =	vst v3;
	v3 =	vadd.f32 v6, v5;
	v5 =	vld [tilespmem:s18+$0xA040]  }
0xc2: {  	v6 =	vld [tilespmem:s18+$0x40]  }
0xc3: {  	[tilespmem:s18+$0x12010] =	vst v3;
	v2 =	vadd.f32 v2, v7;
	v3 =	vld [tilespmem:s18+$0xA050]  }
0xc4: {  	v7 =	vld [tilespmem:s18+$0x50]  }
0xc5: {  	[tilespmem:s18+$0x12020] =	vst v2;
	v2 =	vadd.f32 v4, v8;
	v4 =	vld [tilespmem:s18+$0xA060]  }
0xc6: {  	v8 =	vld [tilespmem:s18+$0x60]  }
0xc7: {  	[tilespmem:s18+$0x12030] =	vst v2;
	v2 =	vadd.f32 v6, v5;
	v5 =	vld [tilespmem:s18+$0xA070]  }
0xc8: {  	v6 =	vld [tilespmem:s18+$0x70]  }
0xc9: {  	[tilespmem:s18+$0x12040] =	vst v2;
	v2 =	vadd.f32 v7, v3;
	v3 =	vld [tilespmem:s18+$0xA400]  }
0xca: {  	v7 =	vld [tilespmem:s18+$0x400]  }
0xcb: {  	[tilespmem:s18+$0x12050] =	vst v2;
	v2 =	vadd.f32 v8, v4;
	v4 =	vld [tilespmem:s18+$0xA410]  }
0xcc: {  	v8 =	vld [tilespmem:s18+$0x410]  }
0xcd: {  	[tilespmem:s18+$0x12060] =	vst v2;
	v2 =	vadd.f32 v6, v5;
	v5 =	vld [tilespmem:s18+$0xA420]  }
0xce: {  	v6 =	vld [tilespmem:s18+$0x420]  }
0xcf: {  	[tilespmem:s18+$0x12070] =	vst v2;
	v2 =	vadd.f32 v7, v3;
	v3 =	vld [tilespmem:s18+$0xA430]  }
0xd0: {  	v7 =	vld [tilespmem:s18+$0x430]  }
0xd1: {  	[tilespmem:s18+$0x12400] =	vst v2;
	v2 =	vadd.f32 v8, v4;
	v4 =	vld [tilespmem:s18+$0xA440]  }
0xd2: {  	v8 =	vld [tilespmem:s18+$0x440]  }
0xd3: {  	[tilespmem:s18+$0x12410] =	vst v2;
	v2 =	vadd.f32 v6, v5;
	v5 =	vld [tilespmem:s18+$0xA450]  }
0xd4: {  	v6 =	vld [tilespmem:s18+$0x450]  }
0xd5: {  	[tilespmem:s18+$0x12420] =	vst v2;
	v2 =	vadd.f32 v7, v3;
	v3 =	vld [tilespmem:s18+$0xA460]  }
0xd6: {  	v7 =	vld [tilespmem:s18+$0x460]  }
0xd7: {  	[tilespmem:s18+$0x12430] =	vst v2;
	v2 =	vadd.f32 v8, v4;
	v4 =	vld [tilespmem:s18+$0xA470]  }
0xd8: {  	v8 =	vld [tilespmem:s18+$0x470]  }
0xd9: {  	[tilespmem:s18+$0x12440] =	vst v2;
	v2 =	vadd.f32 v6, v5;
	v5 =	vld [tilespmem:s18+$0xA800]  }
0xda: {  	v6 =	vld [tilespmem:s18+$0x800]  }
0xdb: {  	[tilespmem:s18+$0x12450] =	vst v2;
	v2 =	vadd.f32 v7, v3;
	v3 =	vld [tilespmem:s18+$0xA810]  }
0xdc: {  	v7 =	vld [tilespmem:s18+$0x810]  }
0xdd: {  	[tilespmem:s18+$0x12460] =	vst v2;
	v2 =	vadd.f32 v8, v4;
	v4 =	vld [tilespmem:s18+$0xA820]  }
0xde: {  	v8 =	vld [tilespmem:s18+$0x820]  }
0xdf: {  	[tilespmem:s18+$0x12470] =	vst v2;
	v2 =	vadd.f32 v6, v5;
	v5 =	vld [tilespmem:s18+$0xA830]  }
0xe0: {  	v6 =	vld [tilespmem:s18+$0x830]  }
0xe1: {  	[tilespmem:s18+$0x12800] =	vst v2;
	v2 =	vadd.f32 v7, v3;
	v3 =	vld [tilespmem:s18+$0xA840]  }
0xe2: {  	v7 =	vld [tilespmem:s18+$0x840]  }
0xe3: {  	[tilespmem:s18+$0x12810] =	vst v2;
	v2 =	vadd.f32 v8, v4;
	v4 =	vld [tilespmem:s18+$0xA850]  }
0xe4: {  	v8 =	vld [tilespmem:s18+$0x850]  }
0xe5: {  	[tilespmem:s18+$0x12820] =	vst v2;
	v2 =	vadd.f32 v6, v5;
	v5 =	vld [tilespmem:s18+$0xA860]  }
0xe6: {  	v6 =	vld [tilespmem:s18+$0x860]  }
0xe7: {  	[tilespmem:s18+$0x12830] =	vst v2;
	v2 =	vadd.f32 v7, v3;
	v3 =	vld [tilespmem:s18+$0xA870]  }
0xe8: {  	v7 =	vld [tilespmem:s18+$0x870]  }
0xe9: {  	[tilespmem:s18+$0x12840] =	vst v2;
	v2 =	vadd.f32 v8, v4;
	v4 =	vld [tilespmem:s18+$0xAC00]  }
0xea: {  	v8 =	vld [tilespmem:s18+$0xC00]  }
0xeb: {  	[tilespmem:s18+$0x12850] =	vst v2;
	v2 =	vadd.f32 v6, v5;
	v5 =	vld [tilespmem:s18+$0xAC10]  }
0xec: {  	v6 =	vld [tilespmem:s18+$0xC10]  }
0xed: {  	[tilespmem:s18+$0x12860] =	vst v2;
	v2 =	vadd.f32 v7, v3;
	v3 =	vld [tilespmem:s18+$0xAC20]  }
0xee: {  	v7 =	vld [tilespmem:s18+$0xC20]  }
0xef: {  	[tilespmem:s18+$0x12870] =	vst v2;
	v2 =	vadd.f32 v8, v4;
	v8 =	vld [tilespmem:s18+$0xAC30]  }
0xf0: {  	v9 =	vld [tilespmem:s18+$0xC30]  }
0xf1: {  	[tilespmem:s18+$0x12C00] =	vst v2;
	v5 =	vadd.f32 v6, v5;
	v2 =	vld [tilespmem:s18+$0xAC40]  }
.Ltmp0:
0xf2: {  	v4 =	vld [tilespmem:s18+$0xC40];
	(pc) =	sbr.rel @p1 .LBB2_3-.Ltmp0, $4  }
0xf3: {  	[tilespmem:s18+$0x12C10] =	vst v5;
	v6 =	vadd.f32 v7, v3;
	v3 =	vld [tilespmem:s18+$0xAC50]  }
0xf4: {  	s17 =	sadd.s32 $0x80, s17;
	v5 =	vld [tilespmem:s18+$0xC50]  }
0xf5: {  	s7 =	sand.u32 $0x380, s17;
	s6 =	sand.u32 $0x3000, s20;
	[tilespmem:s18+$0x12C20] =	vst v6;
	v8 =	vadd.f32 v9, v8;
	v6 =	vld [tilespmem:s18+$0xAC60]  }
0xf6: {  	s20 =	sadd.s32 $0x200, s20;
	s6 =	sor.u32 s7, s6;
	v7 =	vld [tilespmem:s18+$0xC60]  }
0xf7: {  	v9 =	vld [tilespmem:s6+$0xAC70];
	[tilespmem:s18+$0x12C30] =	vst v8;
	v2 =	vadd.f32 v4, v2  }
0xf8: {  	v13 =	vld [tilespmem:s6+$0xC70]  }
0xf9: {  	v8 =	vld [tilespmem:s6+$0xA000];
	[tilespmem:s18+$0x12C40] =	vst v2;
	v2 =	vadd.f32 v5, v3  }
0xfa: {  	v3 =	vld [tilespmem:s6+$0x0]  }
0xfb: {  	v14 =	vld [tilespmem:s6+$0xA010];
	[tilespmem:s18+$0x12C50] =	vst v2;
	v2 =	vadd.f32 v7, v6  }
0xfc: {  	v15 =	vld [tilespmem:s6+$0x10]  }
0xfd: {  	v16 =	vld [tilespmem:s6+$0xA020];
	[tilespmem:s18+$0x12C60] =	vst v2  }
0xfe: {  	v17 =	vld [tilespmem:s6+$0x20]  }
0xff: {  	v2 =	vadd.f32 v13, v9;
	v18 =	vld [tilespmem:s6+$0xA030]  }
0x100: {  	v19 =	vld [tilespmem:s6+$0xA040]  }
0x101: {  	v3 =	vadd.f32 v3, v8;
	[tilespmem:s6+$0x12C70] =	vst v2;
	v2 =	vld [tilespmem:s6+$0x30]  }
0x102: {  	v20 =	vld [tilespmem:s6+$0x40]  }
0x103: {  	v21 =	vld [tilespmem:s6+$0xA050];
	[tilespmem:s6+$0x12000] =	vst v3;
	v3 =	vadd.f32 v15, v14  }
0x104: {  	v22 =	vld [tilespmem:s6+$0x50]  }
0x105: {  	v23 =	vld [tilespmem:s6+$0x60];
	[tilespmem:s6+$0x12010] =	vst v3;
	v3 =	vadd.f32 v17, v16  }
0x106: {  	v24 =	vld [tilespmem:s6+$0xA070];
	v2 =	vadd.f32 v2, v18  }
0x107: {  	[tilespmem:s6+$0x12020] =	vst v3;
	v3 =	vld [tilespmem:s6+$0xA060]  }
0x108: {  	v25 =	vld [tilespmem:s6+$0x70];
	[tilespmem:s6+$0x12030] =	vst v2;
	v2 =	vadd.f32 v20, v19  }
0x109: {  	v26 =	vld [tilespmem:s6+$0xA400]  }
0x10a: {  	v27 =	vld [tilespmem:s6+$0x400];
	[tilespmem:s6+$0x12040] =	vst v2;
	v2 =	vadd.f32 v22, v21  }
0x10b: {  	v28 =	vld [tilespmem:s6+$0x410]  }
0x10c: {  	v29 =	vld [tilespmem:s6+$0xA420];
	[tilespmem:s6+$0x12050] =	vst v2;
	v2 =	vadd.f32 v23, v3  }
0x10d: {  	v3 =	vld [tilespmem:s6+$0xA410]  }
0x10e: {  	v30 =	vld [tilespmem:s6+$0x420];
	[tilespmem:s6+$0x12060] =	vst v2;
	v2 =	vadd.f32 v25, v24  }
0x10f: {  	v31 =	vld [tilespmem:s6+$0xA430]  }
0x110: {  	v32 =	vld [tilespmem:s6+$0x430];
	[tilespmem:s6+$0x12070] =	vst v2;
	v2 =	vadd.f32 v27, v26  }
0x111: {  	v33 =	vld [tilespmem:s6+$0x440]  }
0x112: {  	v34 =	vld [tilespmem:s6+$0xA450];
	[tilespmem:s6+$0x12400] =	vst v2;
	v2 =	vadd.f32 v28, v3  }
0x113: {  	v3 =	vld [tilespmem:s6+$0xA440]  }
0x114: {  	v35 =	vld [tilespmem:s6+$0x450];
	[tilespmem:s6+$0x12410] =	vst v2;
	v2 =	vadd.f32 v30, v29  }
0x115: {  	v36 =	vld [tilespmem:s6+$0xA460]  }
0x116: {  	v37 =	vld [tilespmem:s6+$0x460];
	[tilespmem:s6+$0x12420] =	vst v2;
	v2 =	vadd.f32 v32, v31  }
0x117: {  	v38 =	vld [tilespmem:s6+$0x470]  }
0x118: {  	v39 =	vld [tilespmem:s6+$0xA800];
	[tilespmem:s6+$0x12430] =	vst v2;
	v2 =	vadd.f32 v33, v3  }
0x119: {  	v3 =	vld [tilespmem:s6+$0xA470]  }
0x11a: {  	v40 =	vld [tilespmem:s6+$0x800];
	[tilespmem:s6+$0x12440] =	vst v2;
	v2 =	vadd.f32 v35, v34  }
0x11b: {  	v41 =	vld [tilespmem:s6+$0xA810]  }
0x11c: {  	v42 =	vld [tilespmem:s6+$0x810];
	[tilespmem:s6+$0x12450] =	vst v2;
	v2 =	vadd.f32 v37, v36  }
0x11d: {  	v43 =	vld [tilespmem:s6+$0x820]  }
0x11e: {  	v44 =	vld [tilespmem:s6+$0xA830];
	[tilespmem:s6+$0x12460] =	vst v2;
	v2 =	vadd.f32 v38, v3  }
0x11f: {  	v3 =	vld [tilespmem:s6+$0xA820]  }
0x120: {  	v45 =	vld [tilespmem:s6+$0x830];
	[tilespmem:s6+$0x12470] =	vst v2;
	v2 =	vadd.f32 v40, v39  }
0x121: {  	v46 =	vld [tilespmem:s6+$0xA840]  }
0x122: {  	v47 =	vld [tilespmem:s6+$0x840];
	[tilespmem:s6+$0x12800] =	vst v2;
	v2 =	vadd.f32 v42, v41  }
0x123: {  	v48 =	vld [tilespmem:s6+$0x850]  }
0x124: {  	v49 =	vld [tilespmem:s6+$0xA860];
	[tilespmem:s6+$0x12810] =	vst v2;
	v2 =	vadd.f32 v43, v3  }
0x125: {  	v3 =	vld [tilespmem:s6+$0xA850]  }
0x126: {  	v50 =	vld [tilespmem:s6+$0x860];
	[tilespmem:s6+$0x12820] =	vst v2;
	v2 =	vadd.f32 v45, v44  }
0x127: {  	v51 =	vld [tilespmem:s6+$0xA870]  }
0x128: {  	v52 =	vld [tilespmem:s6+$0x870];
	[tilespmem:s6+$0x12830] =	vst v2;
	v2 =	vadd.f32 v47, v46  }
0x129: {  	v53 =	vld [tilespmem:s6+$0xC00]  }
0x12a: {  	v54 =	vld [tilespmem:s6+$0xAC10];
	[tilespmem:s6+$0x12840] =	vst v2;
	v2 =	vadd.f32 v48, v3  }
0x12b: {  	v3 =	vld [tilespmem:s6+$0xAC00]  }
0x12c: {  	v55 =	vld [tilespmem:s6+$0xC10];
	[tilespmem:s6+$0x12850] =	vst v2;
	v2 =	vadd.f32 v50, v49  }
0x12d: {  	v56 =	vld [tilespmem:s6+$0xAC20]  }
0x12e: {  	v57 =	vld [tilespmem:s6+$0xC20];
	[tilespmem:s6+$0x12860] =	vst v2;
	v2 =	vadd.f32 v52, v51  }
0x12f: {  	v58 =	vld [tilespmem:s6+$0xC30]  }
0x130: {  	v59 =	vld [tilespmem:s6+$0xAC40];
	[tilespmem:s6+$0x12870] =	vst v2;
	v2 =	vadd.f32 v53, v3  }
0x131: {  	v60 =	vld [tilespmem:s6+$0xC40]  }
0x132: {  	v61 =	vld [tilespmem:s6+$0xAC50];
	[tilespmem:s6+$0x12C00] =	vst v2;
	v2 =	vadd.f32 v55, v54  }
0x133: {  	v3 =	vld [tilespmem:s6+$0xAC30]  }
0x134: {  	v62 =	vld [tilespmem:s6+$0xC50];
	[tilespmem:s6+$0x12C10] =	vst v2;
	v2 =	vadd.f32 v57, v56  }
0x135: {  	v63 =	vld [tilespmem:s6+$0xC60]  }
0x136: {  	[tilespmem:s6+$0x12C20] =	vst v2;
	v2 =	vld [tilespmem:s6+$0xAC60];
	_ =	sdelay $0x1  }
0x137: {  	v3 =	vadd.f32 v58, v3  }
0x138: {  	v5 =	vadd.f32 v60, v59  }
0x139: {  	[tilespmem:s6+$0x12C30] =	vst v3;
	v3 =	vadd.f32 v62, v61  }
0x13a: {  	s7 =	sshll.u32 s19, $0x11;
	[tilespmem:s6+$0x12C40] =	vst v5;
	v2 =	vadd.f32 v63, v2  }
0x13b: {  	s17 =	sadd.s32 $0x1, s19;
	p1 =	seq.s32 s19, $0x3F;
	s18 =	sor.u32 s4, s7;
	[tilespmem:s6+$0x12C50] =	vst v3  }
0x13c: {  	s20 =	sadd.s32 s2, s18;
	[tilespmem:s6+$0x12C60] =	vst v2;
	s6 =	sshll.u32 @!p1 s17, $0x7  }
0x13d: {  	[hbm4b:s20+s3] =	stream.linear.scatter [tilespmem:s0], [sflag:$0x5], $0x4000, $0x38;
	[tilespmem:$0x1A000] =	vst v63  }
0x13e: {  	s6 =	sand.u32 @!p1 $0x3FFFFF80, s6  }
0x13f: {  	v2 =	vld.msk @!p1 [tilespmem:s6+$0x8000], $0xff;
	_ =	sdelay $0x4  }
0x140: {  	v3 =	vshll.u32 @!p1 v2, $0x2  }
0x141: {  	v4 =	vlaneseq.u32 @!p1;
	v2 =	vand.u32 @!p1 $0x7, v2;
	v3 =	vand.u32 @!p1 $0xFFFFFFE0, v3  }
0x142: {  	v2 =	vor.u32 @!p1 v2, v3;
	v3 =	vand.u32 @!p1 $0x7, v4;
	v4 =	vshrl.u32 @!p1 v4, $0x3  }
0x143: {  	v2 =	vperm.xlane @!p1 v2, v3;
	v4 =	vmul.u32 @!p1 $0x8, v4;
	_ =	sdelay $0x1  }
0x144: {  	v2 =	vadd.s32 @!p1 v4, v2;
	_ =	sdelay $0x3  }
0x145: {  	vm1 =	vmmov @!p1 $0xffff;
	s19 =	simm.s32 @!p1 $0xA000;
	s7 =	simm.s32 @!p1 $0x0  }
0x146: {  	[tilespmem:s19], [sflag:$0x1] =	stream.indirect_vreg.gather @!p1 [hbm4b:s5+s7], $0x80, v2, vm1, $0xb8;
	[tilespmem:$0x1A000] =	vst v63  }
0x147: {  	s19 =	simm.s32 @!p1 $0xA800  }
0x148: {  	[tilespmem:s19], [sflag:$0x1] =	stream.indirect_vreg.gather @!p1 [hbm4b:s8+s7], $0x80, v2, vm1, $0xb8;
	[tilespmem:$0x1A000] =	vst v63  }
0x149: {  	v2 =	vld.msk @!p1 [tilespmem:s6+$0x8008], $0xff;
	_ =	sdelay $0x4  }
0x14a: {  	v5 =	vshll.u32 @!p1 v2, $0x2  }
0x14b: {  	v2 =	vand.u32 @!p1 $0x7, v2;
	v5 =	vand.u32 @!p1 $0xFFFFFFE0, v5  }
0x14c: {  	v2 =	vor.u32 @!p1 v2, v5  }
0x14d: {  	v2 =	vperm.xlane @!p1 v2, v3;
	_ =	sdelay $0x1  }
0x14e: {  	v2 =	vadd.s32 @!p1 v4, v2;
	_ =	sdelay $0x3  }
0x14f: {  	s19 =	simm.s32 @!p1 $0xB000  }
0x150: {  	[tilespmem:s19], [sflag:$0x2] =	stream.indirect_vreg.gather @!p1 [hbm4b:s5+s7], $0x80, v2, vm1, $0xb8;
	[tilespmem:$0x1A000] =	vst v63  }
0x151: {  	s19 =	simm.s32 @!p1 $0xB800  }
0x152: {  	[tilespmem:s19], [sflag:$0x2] =	stream.indirect_vreg.gather @!p1 [hbm4b:s8+s7], $0x80, v2, vm1, $0xb8;
	[tilespmem:$0x1A000] =	vst v63  }
0x153: {  	v2 =	vld.msk @!p1 [tilespmem:s6+$0x8010], $0xff;
	_ =	sdelay $0x4  }
0x154: {  	v5 =	vshll.u32 @!p1 v2, $0x2  }
0x155: {  	v2 =	vand.u32 @!p1 $0x7, v2;
	v5 =	vand.u32 @!p1 $0xFFFFFFE0, v5  }
0x156: {  	v2 =	vor.u32 @!p1 v2, v5  }
0x157: {  	v2 =	vperm.xlane @!p1 v2, v3;
	_ =	sdelay $0x1  }
0x158: {  	v2 =	vadd.s32 @!p1 v4, v2;
	_ =	sdelay $0x3  }
0x159: {  	s19 =	simm.s32 @!p1 $0xC000  }
0x15a: {  	[tilespmem:s19], [sflag:$0x1] =	stream.indirect_vreg.gather @!p1 [hbm4b:s5+s7], $0x80, v2, vm1, $0xb8;
	[tilespmem:$0x1A000] =	vst v63  }
0x15b: {  	s19 =	simm.s32 @!p1 $0xC800  }
0x15c: {  	[tilespmem:s19], [sflag:$0x1] =	stream.indirect_vreg.gather @!p1 [hbm4b:s8+s7], $0x80, v2, vm1, $0xb8;
	[tilespmem:$0x1A000] =	vst v63  }
0x15d: {  	v2 =	vld.msk @!p1 [tilespmem:s6+$0x8018], $0xff;
	_ =	sdelay $0x4  }
0x15e: {  	v5 =	vshll.u32 @!p1 v2, $0x2  }
0x15f: {  	v2 =	vand.u32 @!p1 $0x7, v2;
	v5 =	vand.u32 @!p1 $0xFFFFFFE0, v5  }
0x160: {  	v2 =	vor.u32 @!p1 v2, v5  }
0x161: {  	v2 =	vperm.xlane @!p1 v2, v3;
	_ =	sdelay $0x1  }
0x162: {  	v2 =	vadd.s32 @!p1 v4, v2;
	_ =	sdelay $0x3  }
0x163: {  	s6 =	simm.s32 @!p1 $0xD000  }
0x164: {  	[tilespmem:s6], [sflag:$0x2] =	stream.indirect_vreg.gather @!p1 [hbm4b:s5+s7], $0x80, v2, vm1, $0xb8;
	[tilespmem:$0x1A000] =	vst v63  }
0x165: {  	s6 =	simm.s32 @!p1 $0xD800  }
0x166: {  	[tilespmem:s6], [sflag:$0x2] =	stream.indirect_vreg.gather @!p1 [hbm4b:s8+s7], $0x80, v2, vm1, $0xb8;
	[tilespmem:$0x1A000] =	vst v63  }
0x167: {  	_ =	swait.ge [sflag:s1], $0x1000  }
0x168: {  	[sflag:s1] =	ssyncset.done $0x0  }
0x169: {  	[sflag:s1] =	ssyncadd.s32 $0xFFFFF000  }
0x16a: {  	_ =	swait.ge [sflag:s12], $0x1000  }
0x16b: {  	[sflag:s12] =	ssyncset.done $0x0  }
0x16c: {  	[sflag:s12] =	ssyncadd.s32 $0xFFFFF000  }
0x16d: {  	_ =	swait.ge [sflag:s1], $0x1000  }
0x16e: {  	[sflag:s1] =	ssyncset.done $0x0  }
0x16f: {  	[sflag:s1] =	ssyncadd.s32 $0xFFFFF000  }
0x170: {  	_ =	swait.ge [sflag:s12], $0x1000  }
0x171: {  	[sflag:s12] =	ssyncset.done $0x0  }
0x172: {  	s6 =	simm.s32 @!p0 $0x6;
	[sflag:s12] =	ssyncadd.s32 $0xFFFFF000  }
0x173: {  	_ =	swait.ge @!p0 [sflag:s6], $0x4000  }
0x174: {  	[sflag:s6] =	ssyncset.done @!p0 $0x0  }
0x175: {  	s19 =	simm.s32 $0x0;
	[sflag:s6] =	ssyncadd.s32 @!p0 $0xFFFFC000;
	s6 =	simm.s32 $0x0  }
.LBB2_5:
0x176: {  	s7 =	sand.u32 $0x3000, s19;
	s20 =	sand.u32 $0x380, s6  }
0x177: {  	s20 =	sor.u32 s20, s7  }
0x178: {  	v2 =	vld [tilespmem:s20+$0xE000]  }
0x179: {  	v3 =	vld [tilespmem:s20+$0x4000]  }
0x17a: {  	v4 =	vld [tilespmem:s20+$0xE010]  }
0x17b: {  	v5 =	vld [tilespmem:s20+$0x4010]  }
0x17c: {  	v6 =	vld [tilespmem:s20+$0xE020]  }
0x17d: {  	v7 =	vld [tilespmem:s20+$0x4020]  }
0x17e: {  	v8 =	vld [tilespmem:s20+$0xE030]  }
0x17f: {  	v9 =	vld [tilespmem:s20+$0x4030]  }
0x180: {  	v10 =	vld [tilespmem:s20+$0xE040]  }
0x181: {  	v11 =	vld [tilespmem:s20+$0x4040]  }
0x182: {  	v12 =	vld [tilespmem:s20+$0xE050]  }
0x183: {  	v13 =	vld [tilespmem:s20+$0x4050]  }
0x184: {  	v14 =	vld [tilespmem:s20+$0xE060]  }
0x185: {  	v15 =	vld [tilespmem:s20+$0x4060]  }
0x186: {  	v16 =	vld [tilespmem:s20+$0xE070]  }
0x187: {  	v17 =	vld [tilespmem:s20+$0x4070]  }
0x188: {  	v18 =	vld [tilespmem:s20+$0xE400]  }
0x189: {  	v19 =	vld [tilespmem:s20+$0x4400]  }
0x18a: {  	v20 =	vld [tilespmem:s20+$0xE410]  }
0x18b: {  	v21 =	vld [tilespmem:s20+$0x4410]  }
0x18c: {  	v22 =	vld [tilespmem:s20+$0xE420]  }
0x18d: {  	v23 =	vld [tilespmem:s20+$0x4420]  }
0x18e: {  	v24 =	vld [tilespmem:s20+$0xE430]  }
0x18f: {  	v25 =	vld [tilespmem:s20+$0x4430]  }
0x190: {  	v26 =	vld [tilespmem:s20+$0xE440]  }
0x191: {  	v27 =	vld [tilespmem:s20+$0x4440]  }
0x192: {  	v28 =	vld [tilespmem:s20+$0xE450]  }
0x193: {  	v29 =	vld [tilespmem:s20+$0x4450]  }
0x194: {  	v30 =	vld [tilespmem:s20+$0xE460]  }
0x195: {  	v38 =	vld [tilespmem:s20+$0xE470];
	v2 =	vadd.f32 v3, v2  }
0x196: {  	v39 =	vld [tilespmem:s20+$0x4470];
	v4 =	vadd.f32 v5, v4  }
0x197: {  	v41 =	vld [tilespmem:s20+$0xE800];
	v40 =	vadd.f32 v9, v8;
	[tilespmem:s20+$0x16000] =	vst v2  }
0x198: {  	v42 =	vld [tilespmem:s20+$0x4800];
	v2 =	vadd.f32 v7, v6;
	[tilespmem:s20+$0x16010] =	vst v4  }
0x199: {  	v44 =	vld [tilespmem:s20+$0xE810];
	v43 =	vadd.f32 v13, v12;
	[tilespmem:s20+$0x16030] =	vst v40  }
0x19a: {  	v45 =	vld [tilespmem:s20+$0x4810];
	[tilespmem:s20+$0x16020] =	vst v2;
	v2 =	vadd.f32 v11, v10  }
0x19b: {  	v47 =	vld [tilespmem:s20+$0xE820];
	v46 =	vadd.f32 v17, v16;
	[tilespmem:s20+$0x16050] =	vst v43  }
0x19c: {  	v48 =	vld [tilespmem:s20+$0x4820];
	[tilespmem:s20+$0x16040] =	vst v2;
	v2 =	vadd.f32 v15, v14  }
0x19d: {  	v50 =	vld [tilespmem:s20+$0xE830];
	v49 =	vadd.f32 v21, v20;
	[tilespmem:s20+$0x16070] =	vst v46  }
0x19e: {  	v51 =	vld [tilespmem:s20+$0x4830];
	[tilespmem:s20+$0x16060] =	vst v2;
	v2 =	vadd.f32 v19, v18  }
0x19f: {  	v3 =	vld [tilespmem:s20+$0x4460];
	v52 =	vadd.f32 v25, v24;
	[tilespmem:s20+$0x16410] =	vst v49  }
0x1a0: {  	v53 =	vld [tilespmem:s20+$0xE840];
	[tilespmem:s20+$0x16400] =	vst v2;
	v2 =	vadd.f32 v23, v22  }
0x1a1: {  	v54 =	vld [tilespmem:s20+$0x4840];
	v55 =	vadd.f32 v29, v28;
	[tilespmem:s20+$0x16430] =	vst v52  }
0x1a2: {  	v56 =	vld [tilespmem:s20+$0xE850];
	[tilespmem:s20+$0x16420] =	vst v2;
	v2 =	vadd.f32 v27, v26  }
0x1a3: {  	v58 =	vld [tilespmem:s20+$0xE860];
	v57 =	vadd.f32 v39, v38;
	[tilespmem:s20+$0x16450] =	vst v55  }
0x1a4: {  	[tilespmem:s20+$0x16440] =	vst v2;
	v2 =	vadd.f32 v3, v30;
	v3 =	vld [tilespmem:s20+$0x4850]  }
0x1a5: {  	v61 =	vld [tilespmem:s20+$0xE870];
	v60 =	vadd.f32 v45, v44;
	[tilespmem:s20+$0x16470] =	vst v57  }
0x1a6: {  	v62 =	vld [tilespmem:s20+$0x4870];
	[tilespmem:s20+$0x16460] =	vst v2;
	v2 =	vadd.f32 v42, v41  }
0x1a7: {  	v59 =	vld [tilespmem:s20+$0x4860];
	v63 =	vadd.f32 v51, v50;
	[tilespmem:s20+$0x16810] =	vst v60  }
0x1a8: {  	[tilespmem:s20+$0x16800] =	vst v2;
	v2 =	vadd.f32 v48, v47  }
0x1a9: {  	[tilespmem:s20+$0x16830] =	vst v63;
	v3 =	vadd.f32 v3, v56  }
0x1aa: {  	[tilespmem:s20+$0x16820] =	vst v2;
	v2 =	vadd.f32 v54, v53  }
0x1ab: {  	[tilespmem:s20+$0x16850] =	vst v3;
	v3 =	vadd.f32 v62, v61  }
0x1ac: {  	[tilespmem:s20+$0x16840] =	vst v2;
	v2 =	vadd.f32 v59, v58  }
0x1ad: {  	s7 =	sor.u32 s7, s6;
	[tilespmem:s20+$0x16870] =	vst v3  }
0x1ae: {  	s7 =	sor.u32 $0x4C00, s7;
	[tilespmem:s20+$0x16860] =	vst v2;
	v2 =	vld [tilespmem:s20+$0xEC00]  }
0x1af: {  	v3 =	vld [tilespmem:s7+$0x0];
	_ =	sdelay $0x4  }
0x1b0: {  	v2 =	vadd.f32 v3, v2;
	_ =	sdelay $0x1  }
0x1b1: {  	[tilespmem:s20+$0x16C00] =	vst v2;
	v2 =	vld [tilespmem:s20+$0xEC10]  }
0x1b2: {  	v3 =	vld [tilespmem:s7+$0x10];
	_ =	sdelay $0x4  }
0x1b3: {  	v2 =	vadd.f32 v3, v2;
	_ =	sdelay $0x1  }
0x1b4: {  	[tilespmem:s20+$0x16C10] =	vst v2;
	v2 =	vld [tilespmem:s20+$0xEC20]  }
0x1b5: {  	v3 =	vld [tilespmem:s7+$0x20];
	_ =	sdelay $0x4  }
0x1b6: {  	v2 =	vadd.f32 v3, v2;
	_ =	sdelay $0x1  }
0x1b7: {  	[tilespmem:s20+$0x16C20] =	vst v2;
	v2 =	vld [tilespmem:s20+$0xEC30]  }
0x1b8: {  	v3 =	vld [tilespmem:s7+$0x30];
	_ =	sdelay $0x4  }
0x1b9: {  	v2 =	vadd.f32 v3, v2;
	_ =	sdelay $0x1  }
0x1ba: {  	[tilespmem:s20+$0x16C30] =	vst v2;
	v2 =	vld [tilespmem:s20+$0xEC40]  }
0x1bb: {  	v3 =	vld [tilespmem:s7+$0x40];
	_ =	sdelay $0x4  }
0x1bc: {  	v2 =	vadd.f32 v3, v2;
	_ =	sdelay $0x1  }
0x1bd: {  	[tilespmem:s20+$0x16C40] =	vst v2;
	v2 =	vld [tilespmem:s20+$0xEC50]  }
0x1be: {  	v3 =	vld [tilespmem:s7+$0x50];
	_ =	sdelay $0x4  }
0x1bf: {  	v2 =	vadd.f32 v3, v2;
	_ =	sdelay $0x1  }
0x1c0: {  	[tilespmem:s20+$0x16C50] =	vst v2;
	v2 =	vld [tilespmem:s20+$0xEC60]  }
0x1c1: {  	v3 =	vld [tilespmem:s7+$0x60];
	_ =	sdelay $0x4  }
0x1c2: {  	v2 =	vadd.f32 v3, v2;
	_ =	sdelay $0x1  }
0x1c3: {  	[tilespmem:s20+$0x16C60] =	vst v2;
	v2 =	vld [tilespmem:s20+$0xEC70]  }
0x1c4: {  	v3 =	vld [tilespmem:s7+$0x70];
	_ =	sdelay $0x1  }
0x1c5: {  	p0 =	sne.s32 s19, $0x3E00  }
.Ltmp1:
0x1c6: {  	_ = 	snop;
	(pc) =	sbr.rel @p0 .LBB2_5-.Ltmp1, $3  }
0x1c7: {  	_ = 	snop  }
0x1c8: {  	v2 =	vadd.f32 v3, v2;
	_ =	sdelay $0x1  }
0x1c9: {  	s19 =	sadd.s32 $0x200, s19;
	s6 =	sadd.s32 $0x80, s6;
	[tilespmem:s20+$0x16C70] =	vst v2  }
0x1ca: {  	p0 =	sne.s32 s17, $0x40  }
.Ltmp2:
0x1cb: {  	_ = 	snop;
	(pc) =	sbr.rel @p0 .LBB2_2-.Ltmp2, $3  }
0x1cc: {  	_ =	sdelay $0x1  }
0x1cd: {  	s6 =	sadd.s32 s18, s9;
	s19 =	smov.u32 s17  }
0x1ce: {  	[hbm4b:s6+s3] =	stream.linear.scatter [tilespmem:s13], [sflag:$0x6], $0x4000, $0x38;
	[tilespmem:$0x1A000] =	vst v63  }
0x1cf: {  	s16 =	sadd.s32 $0x1, s16  }
0x1d0: {  	_ =	swait.ge [sflag:s14], $0x4000;
	p0 =	sne.s32 s16, s10  }
.Ltmp3:
0x1d1: {  	[sflag:s14] =	ssyncset.done $0x0;
	(pc) =	sbr.rel @p0 .LBB2_1-.Ltmp3, $4  }
0x1d2: {  	[sflag:s14] =	ssyncadd.s32 $0xFFFFC000  }
0x1d3: {  	_ =	swait.ge [sflag:s15], $0x4000  }
0x1d4: {  	[sflag:s15] =	ssyncset.done $0x0  }
0x1d5: {  	[sflag:s15] =	ssyncadd.s32 $0xFFFFC000  }
0x1d6: {  	_ =	sfence.sel $0x180000  }
0x1d7: {  	[bflag:$0x0] =	sbarrier.arrive $0xFFFF  }
0x1d8: {  	_ =	strace $0x90000047  }
0x1d9: {  	s0 =	stileid.u32;
	[bflag:$0x2] =	sbarrier.arrive $0xFFFF  }
0x1da: {  	p0 =	sne.s32 s0, $0x0;
	s0 =	rddreg [dreg:$0x2]  }
0x1db: {  	s0 =	sadd.s32 @!p0 $0x100000, s0  }
0x1dc: {  	[sflag:s0] =	ssyncadd.tile.s32 @!p0 $0x1;
	_ =	shalt  }
.Lfunc_end2:
_tile_overlayer_lowered:
.L_overlay_start_2:
0x1dd: {  	(tag) =	ssettag $0x2  }
0x1de: {  	s0 =	rddreg [dreg:$0x0];
	s2 =	stileid.u32  }
0x1df: {  	s1 =	rddreg [dreg:$0x1];
	p0 =	sne.s32 s2, $0x0  }
0x1e0: {  	s3 =	rddreg [dreg:$0x2];
	[bflag:$0x3] =	sbarrier.arrive $0xFFFF;
	s2 =	simm.s32 @!p0 $0x1C07  }
0x1e1: {  	[timem:s3], [sflag:s2] =	dma.local @!p0 [hbm:s0], s1  }
0x1e2: {  	s0 =	simm.s32 @!p0 $0x7  }
0x1e3: {  	_ =	swait.ge @!p0 [sflag:s0], s1  }
0x1e4: {  	s1 =	ssub.s32 @!p0 $0x0, s1;
	[sflag:s0] =	ssyncset.done @!p0 $0x0  }
0x1e5: {  	[sflag:s0] =	ssyncadd.s32 @!p0 s1  }
0x1e6: {  	[bflag:$0x3] =	sbarrier.arrive $0xFFFF  }
0x1e7: {  	_ =	shalt  }

</sc_bundles>
